<compile_context>
chip_gen: v7x
topology: tpu7x:2x2x1
jax: 0.10.2.dev20260603
libtpu: 0.0.44.dev20260713+nightly
codegen_flags: <defaults>
</compile_context>

<pallas_src>
import functools

import jax
import jax.numpy as jnp
import numpy as np
from jax import lax
from jax.experimental import pallas as pl
from jax.experimental.pallas import tpu as pltpu
from jax.experimental.pallas import tpu_sc as plsc

B, T, N = 2, 4, 4096
P = 1024
K = 32
C1, C2 = 32, 64
R2 = np.float32(0.3 * 0.3)
NCHUNK = N // 16
CAP = 160
BTN = B * T * N
BTP = B * T * P
NU = 10
PPT = 128
NUNIT = NU * B * (P // PPT)

_mesh = plsc.VectorSubcoreMesh(core_axis_name="c", subcore_axis_name="s")
_sc_params = pltpu.CompilerParams(needs_layout_passes=False)


QN = N // 4
QC = QN // 16


@functools.partial(
    pl.kernel,
    out_type=[
        jax.ShapeDtypeStruct((3 * BTN,), jnp.float32),
        jax.ShapeDtypeStruct((3 * BTP,), jnp.float32),
    ],
    mesh=_mesh,
    compiler_params=_sc_params,
    scratch_types=[
        pltpu.VMEM((3 * N,), jnp.float32),
        pltpu.VMEM((N,), jnp.float32),
        pltpu.VMEM((N,), jnp.float32),
        pltpu.VMEM((N,), jnp.float32),
        pltpu.VMEM((QN,), jnp.float32),
        pltpu.VMEM((P,), jnp.int32),
        pltpu.VMEM((P,), jnp.float32),
        pltpu.VMEM((P,), jnp.float32),
        pltpu.VMEM((P,), jnp.float32),
        pltpu.VMEM((32,), jnp.float32),
        pltpu.VMEM((512,), jnp.float32),
        pltpu.VMEM_SHARED((4096,), jnp.float32),
    ],
)
def _fps_kernel(xyzs, soa_out, axyz_out, aos_v, sx_v, sy_v, sz_v, dist_v,
                aidx_v, ax_v, ay_v, az_v, pkt_v, blk_v, shx_v):
    c_ax = lax.axis_index("c")
    s_ax = lax.axis_index("s")
    tl = s_ax // 4
    mem = s_ax % 4
    bt = c_ax * 4 + tl
    base = mem * QN
    iota = lax.iota(jnp.int32, 16)

    pltpu.sync_copy(xyzs.at[pl.ds(bt * 3 * N, 3 * N)], aos_v)

    def soa_body(c, _):
        rows = (c * 16 + iota) * 3
        for ch, ref in ((0, sx_v), (1, sy_v), (2, sz_v)):
            ref[pl.ds(c * 16, 16)] = plsc.load_gather(aos_v, [rows + ch])
        return 0

    lax.fori_loop(0, NCHUNK, soa_body, 0)

    def init_body(c, _):
        dist_v[pl.ds(c * 16, 16)] = jnp.full((16,), 1e10, jnp.float32)
        return 0

    lax.fori_loop(0, QC, init_body, 0)
    lane0 = iota == 0
    gchunk0 = mem * QC

    def step(i, far):
        farv = jnp.full((16,), far, jnp.int32)
        plsc.store_scatter(aidx_v, [jnp.full((16,), i, jnp.int32)],
                           farv, mask=lane0)
        cx = plsc.load_gather(sx_v, [farv])
        cy = plsc.load_gather(sy_v, [farv])
        cz = plsc.load_gather(sz_v, [farv])

        def chunk(c, carry):
            m, mi = carry
            s = pl.ds(base + c * 16, 16)
            dx = sx_v[s] - cx
            dy = sy_v[s] - cy
            dz = sz_v[s] - cz
            d2 = (jnp.minimum(dx * dx, 3.0) + jnp.minimum(dz * dz, 3.0)
                  ) + jnp.minimum(dy * dy, 3.0)
            dv = jnp.minimum(dist_v[pl.ds(c * 16, 16)], d2)
            dist_v[pl.ds(c * 16, 16)] = dv
            upd = dv > m
            m = jnp.where(upd, dv, m)
            mi = jnp.where(upd, jnp.full((16,), c, jnp.int32), mi)
            return m, mi

        m0 = jnp.full((16,), -1.0, jnp.float32)
        i0 = jnp.zeros((16,), jnp.int32)
        m, mi = lax.fori_loop(0, QC, chunk, (m0, i0), unroll=4)
        gidx = (mi + gchunk0) * 16 + iota
        pkt_v[pl.ds(0, 16)] = m
        pkt_v[pl.ds(16, 16)] = plsc.bitcast(gidx, jnp.float32)
        parity = (i % 2) * 2048
        pltpu.sync_copy(pkt_v,
                        shx_v.at[pl.ds(parity + tl * 512 + mem * 32, 32)])
        plsc.subcore_barrier()
        pltpu.sync_copy(shx_v.at[pl.ds(parity + tl * 512, 128)],
                        blk_v.at[pl.ds(0, 128)])
        vals = [blk_v[pl.ds(j * 32, 16)] for j in range(4)]
        idxs = [plsc.bitcast(blk_v[pl.ds(j * 32 + 16, 16)], jnp.int32)
                for j in range(4)]
        mm = jnp.maximum(jnp.maximum(vals[0], vals[1]),
                         jnp.maximum(vals[2], vals[3]))
        mx = jnp.max(mm)
        big = jnp.int32(1 << 30)
        cands = [jnp.where(vals[j] == mx, idxs[j], big) for j in range(4)]
        cand = jnp.minimum(jnp.minimum(cands[0], cands[1]),
                           jnp.minimum(cands[2], cands[3]))
        return jnp.min(cand)

    lax.fori_loop(0, P, step, jnp.int32(0))

    @pl.when(mem == 0)
    def _():
        def gath(c, _):
            s = pl.ds(c * 16, 16)
            idxs = aidx_v[s]
            ax_v[s] = plsc.load_gather(sx_v, [idxs])
            ay_v[s] = plsc.load_gather(sy_v, [idxs])
            az_v[s] = plsc.load_gather(sz_v, [idxs])
            return 0

        lax.fori_loop(0, P // 16, gath, 0)

        for ch, (src, asrc) in enumerate(((sx_v, ax_v), (sy_v, ay_v),
                                          (sz_v, az_v))):
            pltpu.sync_copy(src, soa_out.at[pl.ds(ch * BTN + bt * N, N)])
            pltpu.sync_copy(asrc, axyz_out.at[pl.ds(ch * BTP + bt * P, P)])


@functools.partial(
    pl.kernel,
    out_type=jax.ShapeDtypeStruct((NU * B * 3 * K, P), jnp.float32),
    mesh=_mesh,
    compiler_params=_sc_params,
    scratch_types=[
        pltpu.VMEM((N,), jnp.float32),
        pltpu.VMEM((N,), jnp.float32),
        pltpu.VMEM((N,), jnp.float32),
        pltpu.VMEM((PPT,), jnp.float32),
        pltpu.VMEM((PPT,), jnp.float32),
        pltpu.VMEM((PPT,), jnp.float32),
        pltpu.VMEM((CAP,), jnp.float32),
        pltpu.VMEM((CAP,), jnp.float32),
        pltpu.VMEM((CAP,), jnp.float32),
        pltpu.VMEM((3 * K, PPT), jnp.float32),
    ],
)
def _bq_kernel(soa, axyz, disp_out, nx_v, ny_v, nz_v,
               anx_v, any_v, anz_v, cpx_v, cpy_v, cpz_v, stg_v):
    wid = lax.axis_index("s") * 2 + lax.axis_index("c")
    iota = lax.iota(jnp.int32, 16)

    def job(j, _):
        unit = j * 32 + wid
        q = unit // (P // PPT)
        p0 = (unit % (P // PPT)) * PPT
        b = q % 2
        qu = q // 2
        a = (qu + 1) // 3
        u = qu - 2 * a
        pltpu.sync_copy(soa.at[pl.ds((b * T + u) * N, N)], nx_v)
        pltpu.sync_copy(soa.at[pl.ds(BTN + (b * T + u) * N, N)], ny_v)
        pltpu.sync_copy(soa.at[pl.ds(2 * BTN + (b * T + u) * N, N)], nz_v)
        abase = (b * T + a) * P + p0
        pltpu.sync_copy(axyz.at[pl.ds(abase, PPT)], anx_v)
        pltpu.sync_copy(axyz.at[pl.ds(BTP + abase, PPT)], any_v)
        pltpu.sync_copy(axyz.at[pl.ds(2 * BTP + abase, PPT)], anz_v)

        def anchor(p, _):
            pv = jnp.full((16,), p, jnp.int32)
            ax = plsc.load_gather(anx_v, [pv])
            ay = plsc.load_gather(any_v, [pv])
            az = plsc.load_gather(anz_v, [pv])

            def cond(carry):
                cnt, c = carry
                return (cnt < K) & (c < NCHUNK)

            def scan(carry):
                cnt, c = carry
                for half in range(8):
                    s = pl.ds((c + half) * 16, 16)
                    dx = nx_v[s] - ax
                    dy = ny_v[s] - ay
                    dz = nz_v[s] - az
                    d2 = (jnp.minimum(dx * dx, 3.0)
                          + jnp.minimum(dy * dy, 3.0)
                          ) + jnp.minimum(dz * dz, 3.0)
                    msk = d2 < R2
                    plsc.store_compressed(cpx_v.at[pl.ds(cnt, 16)], dx,
                                          mask=msk)
                    plsc.store_compressed(cpy_v.at[pl.ds(cnt, 16)], dy,
                                          mask=msk)
                    plsc.store_compressed(cpz_v.at[pl.ds(cnt, 16)], dz,
                                          mask=msk)
                    cnt = cnt + plsc.all_reduce_population_count(msk)[0]
                return cnt, c + 8

            cnt, _c = lax.while_loop(cond, scan, (jnp.int32(0), jnp.int32(0)))
            zero16 = jnp.zeros((16,), jnp.int32)
            hasv = jnp.broadcast_to(cnt > 0, (16,))
            cntv = jnp.broadcast_to(cnt, (16,))
            pdx = jnp.where(hasv, plsc.load_gather(cpx_v, [zero16]),
                            plsc.load_gather(nx_v, [zero16]) - ax)
            pdy = jnp.where(hasv, plsc.load_gather(cpy_v, [zero16]),
                            plsc.load_gather(ny_v, [zero16]) - ay)
            pdz = jnp.where(hasv, plsc.load_gather(cpz_v, [zero16]),
                            plsc.load_gather(nz_v, [zero16]) - az)
            for chunk in range(K // 16):
                lanes = iota + chunk * 16
                fill = lanes >= cntv
                for ch, (ref, padv) in enumerate(((cpx_v, pdx), (cpy_v, pdy),
                                                  (cpz_v, pdz))):
                    v = ref[pl.ds(chunk * 16, 16)]
                    v = jnp.where(fill, padv, v)
                    rows = lanes + ch * K
                    plsc.store_scatter(stg_v, [rows, pv], v)
            return 0

        lax.fori_loop(0, PPT, anchor, 0)
        row0 = q * 3 * K
        pltpu.sync_copy(stg_v,
                        disp_out.at[pl.ds(row0, 3 * K), pl.ds(p0, PPT)])
        return 0

    lax.fori_loop(0, NUNIT // 32, job, 0)


def _uq_lookup(t, w):
    return jnp.clip(t * 3 + w - 1, 0, NU - 1)


def _mlp_body(d_ref, wd_ref, wm_ref, o_ref):
    w = pl.program_id(2)
    x = d_ref[0, 0]
    wd = wd_ref[...]
    bias = (w.astype(jnp.float32) - 1.0) * wd[:, 3:4]
    h = (wd[:, 0:1] * x[0:1, :] + wd[:, 1:2] * x[1:2, :]
         + wd[:, 2:3] * x[2:3, :] + bias)
    h = jnp.maximum(h, 0.0)
    f = jnp.dot(wm_ref[...], h, preferred_element_type=jnp.float32)
    f = jnp.maximum(f, 0.0)
    mx = f[:, 0:P]
    for k in range(1, K):
        mx = jnp.maximum(mx, f[:, k * P:(k + 1) * P])

    @pl.when(w == 0)
    def _():
        o_ref[0, 0] = mx

    @pl.when(w > 0)
    def _():
        o_ref[0, 0] += mx


def _mlp_call(dispf, Wd, Wm):
    return pl.pallas_call(
        _mlp_body,
        grid=(B, T, 3),
        in_specs=[
            pl.BlockSpec((1, 1, 3, K * P),
                         lambda b, t, w: (_uq_lookup(t, w), b, 0, 0)),
            pl.BlockSpec((C1, 4), lambda b, t, w: (0, 0)),
            pl.BlockSpec((C2, C1), lambda b, t, w: (0, 0)),
        ],
        out_specs=pl.BlockSpec((1, 1, C2, P), lambda b, t, w: (b, t, 0, 0)),
        out_shape=jax.ShapeDtypeStruct((B, T, C2, P), jnp.float32),
    )(dispf, Wd, Wm)


def kernel(xyzs, Wd, Wm):
    soa, axyz = _fps_kernel(xyzs.reshape(-1))
    disp = _bq_kernel(soa, axyz)
    feats = _mlp_call(disp.reshape(NU, B, 3, K * P), Wd, Wm)
    new_xyzs = jnp.transpose(axyz.reshape(3, B, T, P), (1, 2, 3, 0))
    return new_xyzs, feats

# --- scband reference (transcript-rebuilt; emitter-appended) ---
"""Pipeline reference for scband-p4-dconv-42777874268412 (READ-ONLY COPY).

The authoritative reference and input builder live on the scoring server;
editing this copy changes nothing except your own understanding.
"""

import jax, jax.numpy as jnp
import numpy as np

B, T, N = 2, 4, 4096
SPATIAL_STRIDE = 4
RADIUS, K = 0.3, 32
TK = 3
C1, C2 = 32, 64


def setup_inputs(seed: int = 0):
    key = jax.random.key(seed)
    k1, k2, k3 = jax.random.split(key, 3)
    xyzs = jax.random.uniform(k1, (B, T, N, 3), dtype=jnp.float32)
    Wd = jax.random.normal(k2, (C1, 4), dtype=jnp.float32) * (2.0 / 4) ** 0.5
    Wm = jax.random.normal(k3, (C2, C1), dtype=jnp.float32) * (2.0 / C1) ** 0.5
    return {"xyzs": xyzs, "Wd": Wd, "Wm": Wm}


def fps(xyz, npoint):
    # CUDA-style furthest point sampling, start at index 0
    b, n, _ = xyz.shape

    def body(i, state):
        idxs, dists, farthest = state
        idxs = idxs.at[:, i].set(farthest)
        centroid = xyz[jnp.arange(b), farthest]  # (b, 3)
        d = jnp.sum((xyz - centroid[:, None, :]) ** 2, axis=-1)
        dists = jnp.minimum(dists, d)
        farthest = jnp.argmax(dists, axis=-1).astype(jnp.int32)
        return idxs, dists, farthest

    idxs = jnp.zeros((b, npoint), dtype=jnp.int32)
    dists = jnp.full((b, n), 1e10, dtype=jnp.float32)
    farthest = jnp.zeros((b,), dtype=jnp.int32)
    idxs, _, _ = jax.lax.fori_loop(0, npoint, body, (idxs, dists, farthest))
    return idxs


def ball_query(radius, k, nb, anchor):
    # nb: (B, N, 3); anchor: (B, P, 3) -> idx (B, P, k)
    n = nb.shape[1]
    d2 = jnp.sum((anchor[:, :, None, :] - nb[:, None, :, :]) ** 2, axis=-1)  # (B,P,N)
    mask = d2 < radius * radius
    keys = jnp.where(mask, jnp.arange(n)[None, None, :], n)
    order = jnp.sort(keys, axis=-1)[:, :, :k]  # first k in-range indices (N if missing)
    first = order[:, :, :1]
    idx = jnp.where(order >= n, first, order)  # pad with first found index (CUDA ball_query behavior)
    idx = jnp.where(idx >= n, 0, idx)  # no point in range -> 0 (buffer was zero-initialized)
    return idx.astype(jnp.int32)


def group(points, idx):
    # points: (B, N, C); idx: (B, ...) -> (B, ..., C)
    return jax.vmap(lambda p, i: p[i])(points, idx)


def _forward(xyzs, Wd, Wm):
    frames = [xyzs[:, t] for t in range(T)]
    # replicate temporal padding [1, 1]
    frames = [frames[0]] + frames + [frames[-1]]
    npoint = N // SPATIAL_STRIDE
    half = TK // 2
    new_xyzs, new_feats = [], []
    for t in range(half, len(frames) - half):
        anchor_idx = fps(jax.lax.stop_gradient(frames[t]), npoint)  # (B, P)
        anchor_xyz = group(frames[t], anchor_idx)  # (B, P, 3)
        feats_t = []
        for i in range(t - half, t + half + 1):
            nb = frames[i]
            idx = ball_query(RADIUS, K, jax.lax.stop_gradient(nb), jax.lax.stop_gradient(anchor_xyz))
            grouped = group(nb, idx)  # (B, P, K, 3)
            disp = grouped - anchor_xyz[:, :, None, :]
            tdisp = jnp.full(disp.shape[:3] + (1,), float(i - t), dtype=jnp.float32)
            d4 = jnp.concatenate([disp, tdisp], axis=-1)  # (B, P, K, 4)
            # conv_d: 1x1 conv (4 -> C1) + ReLU  (no BN, no bias)
            f = jax.nn.relu(jnp.einsum('bpkc,oc->bpko', d4, Wd))
            # mlp: 1x1 conv (C1 -> C2) + ReLU
            f = jax.nn.relu(jnp.einsum('bpkc,oc->bpko', f, Wm))
            # spatial max pooling over neighbors
            f = jnp.max(f, axis=2)  # (B, P, C2)
            feats_t.append(f)
        # temporal sum pooling
        feat = jnp.sum(jnp.stack(feats_t, axis=1), axis=1)  # (B, P, C2)
        new_xyzs.append(anchor_xyz)
        new_feats.append(jnp.transpose(feat, (0, 2, 1)))  # (B, C2, P) to match torch layout
    return jnp.stack(new_xyzs, axis=1), jnp.stack(new_feats, axis=1)


def reference(xyzs, Wd, Wm):
    return _forward(xyzs, Wd, Wm)

if __name__ == "__main__":
    import jax
    _d = setup_inputs()
    print(jax.jit(kernel)(*tuple(_d.values())))

</pallas_src>

<mosaic_0001>
#map = affine_map<(d0, d1) -> (0)>
#map1 = affine_map<(d0, d1) -> (0, 0)>
module attributes {stable_mosaic.version = 14 : i64} {
  func.func @_bq_kernel(%arg0: i32, %arg1: i32, %arg2: memref<98304xf32, #tpu.memory_space<hbm>>, %arg3: memref<24576xf32, #tpu.memory_space<hbm>>, %arg4: memref<1920x1024xf32, #tpu.memory_space<hbm>>, %arg5: memref<4096xf32, #tpu.memory_space<vmem>>, %arg6: memref<4096xf32, #tpu.memory_space<vmem>>, %arg7: memref<4096xf32, #tpu.memory_space<vmem>>, %arg8: memref<128xf32, #tpu.memory_space<vmem>>, %arg9: memref<128xf32, #tpu.memory_space<vmem>>, %arg10: memref<128xf32, #tpu.memory_space<vmem>>, %arg11: memref<160xf32, #tpu.memory_space<vmem>>, %arg12: memref<160xf32, #tpu.memory_space<vmem>>, %arg13: memref<160xf32, #tpu.memory_space<vmem>>, %arg14: memref<96x128xf32, #tpu.memory_space<vmem>>) attributes {dimension_semantics = [#tpu.dimension_semantics<core_parallel>, #tpu.dimension_semantics<subcore_parallel>], iteration_bounds = array<i64: 2, 16>, scalar_prefetch = 0 : i64, scratch_operands = 10 : i64, tpu.core_type = #tpu.core_type<sc_vector_subcore>, window_params = [{transform_indices = #map}, {transform_indices = #map}, {transform_indices = #map1}]} {
    %mul3A = arith.constant 2 : i32
    %mul3A_0 = arith.muli %arg1, %mul3A : i32
    %add3A = arith.addi %mul3A_0, %arg0 : i32
    %iota3A = tpu.iota {dimensions = array<i32: 0>} : vector<16xi32>
    %scan3A = arith.constant 0 : i32
    %scan3A_1 = arith.constant 0 : i32
    %scan3A_2 = arith.constant 5 : i32
    %scan3A_3 = arith.addi %scan3A_1, %scan3A_2 : i32
    %scan3A_4 = arith.constant 1 : i32
    %scan3A_5 = scf.for %scan3A_7 = %scan3A_1 to %scan3A_3 step %scan3A_4 iter_args(%scan3A_8 = %scan3A) -> (i32)  : i32 {
      %mul3A_9 = arith.constant 32 : i32
      %mul3A_10 = arith.muli %scan3A_7, %mul3A_9 : i32
      %add3A_11 = arith.addi %mul3A_10, %add3A : i32
      %jit3A = arith.constant 8 : i32
      %div3A = arith.divsi %add3A_11, %jit3A : i32
      %sign3A = arith.constant 0 : i32
      %sign3A_12 = arith.cmpi sgt, %add3A_11, %sign3A : i32
      %sign3A_13 = arith.extui %sign3A_12 : i1 to i32
      %sign3A_14 = arith.constant 0 : i32
      %sign3A_15 = arith.cmpi slt, %add3A_11, %sign3A_14 : i32
      %sign3A_16 = arith.extui %sign3A_15 : i1 to i32
      %sign3A_17 = arith.subi %sign3A_13, %sign3A_16 : i32
      %sign3A_18 = arith.constant 0 : i32
      %sign3A_19 = arith.cmpi sgt, %jit3A, %sign3A_18 : i32
      %sign3A_20 = arith.extui %sign3A_19 : i1 to i32
      %sign3A_21 = arith.constant 0 : i32
      %sign3A_22 = arith.cmpi slt, %jit3A, %sign3A_21 : i32
      %sign3A_23 = arith.extui %sign3A_22 : i1 to i32
      %sign3A_24 = arith.subi %sign3A_20, %sign3A_23 : i32
      %ne3A = arith.cmpi ne, %sign3A_17, %sign3A_24 : i32
      %rem3A = arith.remsi %add3A_11, %jit3A : i32
      %ne3A_25 = arith.constant 0 : i32
      %ne3A_26 = arith.cmpi ne, %rem3A, %ne3A_25 : i32
      %and3A = arith.andi %ne3A, %ne3A_26 : i1
      %sub3A = arith.constant 1 : i32
      %sub3A_27 = arith.subi %div3A, %sub3A : i32
      %select_n3A = arith.select %and3A, %sub3A_27, %div3A : i32
      %jit3A_28 = arith.constant 8 : i32
      %eq3A = arith.constant 0 : i32
      %eq3A_29 = arith.cmpi eq, %jit3A_28, %eq3A : i32
      %jit3A_30 = arith.constant 1 : i32
      %select_n3A_31 = arith.select %eq3A_29, %jit3A_30, %jit3A_28 : i32
      %rem3A_32 = arith.remsi %add3A_11, %select_n3A_31 : i32
      %ne3A_33 = arith.constant 0 : i32
      %ne3A_34 = arith.cmpi ne, %rem3A_32, %ne3A_33 : i32
      %lt3A = arith.constant 0 : i32
      %lt3A_35 = arith.cmpi slt, %rem3A_32, %lt3A : i32
      %lt3A_36 = arith.constant 0 : i32
      %lt3A_37 = arith.cmpi slt, %select_n3A_31, %lt3A_36 : i32
      %ne3A_38 = arith.xori %lt3A_35, %lt3A_37 : i1
      %and3A_39 = arith.andi %ne3A_38, %ne3A_34 : i1
      %add3A_40 = arith.addi %rem3A_32, %select_n3A_31 : i32
      %select_n3A_41 = arith.select %and3A_39, %add3A_40, %rem3A_32 : i32
      %mul3A_42 = arith.constant 128 : i32
      %mul3A_43 = arith.muli %select_n3A_41, %mul3A_42 : i32
      %jit3A_44 = arith.constant 2 : i32
      %eq3A_45 = arith.constant 0 : i32
      %eq3A_46 = arith.cmpi eq, %jit3A_44, %eq3A_45 : i32
      %jit3A_47 = arith.constant 1 : i32
      %select_n3A_48 = arith.select %eq3A_46, %jit3A_47, %jit3A_44 : i32
      %rem3A_49 = arith.remsi %select_n3A, %select_n3A_48 : i32
      %ne3A_50 = arith.constant 0 : i32
      %ne3A_51 = arith.cmpi ne, %rem3A_49, %ne3A_50 : i32
      %lt3A_52 = arith.constant 0 : i32
      %lt3A_53 = arith.cmpi slt, %rem3A_49, %lt3A_52 : i32
      %lt3A_54 = arith.constant 0 : i32
      %lt3A_55 = arith.cmpi slt, %select_n3A_48, %lt3A_54 : i32
      %ne3A_56 = arith.xori %lt3A_53, %lt3A_55 : i1
      %and3A_57 = arith.andi %ne3A_56, %ne3A_51 : i1
      %add3A_58 = arith.addi %rem3A_49, %select_n3A_48 : i32
      %select_n3A_59 = arith.select %and3A_57, %add3A_58, %rem3A_49 : i32
      %jit3A_60 = arith.constant 2 : i32
      %div3A_61 = arith.divsi %select_n3A, %jit3A_60 : i32
      %sign3A_62 = arith.constant 0 : i32
      %sign3A_63 = arith.cmpi sgt, %select_n3A, %sign3A_62 : i32
      %sign3A_64 = arith.extui %sign3A_63 : i1 to i32
      %sign3A_65 = arith.constant 0 : i32
      %sign3A_66 = arith.cmpi slt, %select_n3A, %sign3A_65 : i32
      %sign3A_67 = arith.extui %sign3A_66 : i1 to i32
      %sign3A_68 = arith.subi %sign3A_64, %sign3A_67 : i32
      %sign3A_69 = arith.constant 0 : i32
      %sign3A_70 = arith.cmpi sgt, %jit3A_60, %sign3A_69 : i32
      %sign3A_71 = arith.extui %sign3A_70 : i1 to i32
      %sign3A_72 = arith.constant 0 : i32
      %sign3A_73 = arith.cmpi slt, %jit3A_60, %sign3A_72 : i32
      %sign3A_74 = arith.extui %sign3A_73 : i1 to i32
      %sign3A_75 = arith.subi %sign3A_71, %sign3A_74 : i32
      %ne3A_76 = arith.cmpi ne, %sign3A_68, %sign3A_75 : i32
      %rem3A_77 = arith.remsi %select_n3A, %jit3A_60 : i32
      %ne3A_78 = arith.constant 0 : i32
      %ne3A_79 = arith.cmpi ne, %rem3A_77, %ne3A_78 : i32
      %and3A_80 = arith.andi %ne3A_76, %ne3A_79 : i1
      %sub3A_81 = arith.constant 1 : i32
      %sub3A_82 = arith.subi %div3A_61, %sub3A_81 : i32
      %select_n3A_83 = arith.select %and3A_80, %sub3A_82, %div3A_61 : i32
      %add3A_84 = arith.constant 1 : i32
      %add3A_85 = arith.addi %select_n3A_83, %add3A_84 : i32
      %jit3A_86 = arith.constant 3 : i32
      %div3A_87 = arith.divsi %add3A_85, %jit3A_86 : i32
      %sign3A_88 = arith.constant 0 : i32
      %sign3A_89 = arith.cmpi sgt, %add3A_85, %sign3A_88 : i32
      %sign3A_90 = arith.extui %sign3A_89 : i1 to i32
      %sign3A_91 = arith.constant 0 : i32
      %sign3A_92 = arith.cmpi slt, %add3A_85, %sign3A_91 : i32
      %sign3A_93 = arith.extui %sign3A_92 : i1 to i32
      %sign3A_94 = arith.subi %sign3A_90, %sign3A_93 : i32
      %sign3A_95 = arith.constant 0 : i32
      %sign3A_96 = arith.cmpi sgt, %jit3A_86, %sign3A_95 : i32
      %sign3A_97 = arith.extui %sign3A_96 : i1 to i32
      %sign3A_98 = arith.constant 0 : i32
      %sign3A_99 = arith.cmpi slt, %jit3A_86, %sign3A_98 : i32
      %sign3A_100 = arith.extui %sign3A_99 : i1 to i32
      %sign3A_101 = arith.subi %sign3A_97, %sign3A_100 : i32
      %ne3A_102 = arith.cmpi ne, %sign3A_94, %sign3A_101 : i32
      %rem3A_103 = arith.remsi %add3A_85, %jit3A_86 : i32
      %ne3A_104 = arith.constant 0 : i32
      %ne3A_105 = arith.cmpi ne, %rem3A_103, %ne3A_104 : i32
      %and3A_106 = arith.andi %ne3A_102, %ne3A_105 : i1
      %sub3A_107 = arith.constant 1 : i32
      %sub3A_108 = arith.subi %div3A_87, %sub3A_107 : i32
      %select_n3A_109 = arith.select %and3A_106, %sub3A_108, %div3A_87 : i32
      %mul3A_110 = arith.constant 2 : i32
      %mul3A_111 = arith.muli %mul3A_110, %select_n3A_109 : i32
      %sub3A_112 = arith.subi %select_n3A_83, %mul3A_111 : i32
      %mul3A_113 = arith.constant 4 : i32
      %mul3A_114 = arith.muli %select_n3A_59, %mul3A_113 : i32
      %add3A_115 = arith.addi %mul3A_114, %sub3A_112 : i32
      %mul3A_116 = arith.constant 4096 : i32
      %mul3A_117 = arith.muli %add3A_115, %mul3A_116 : i32
      "tpu.region"() ({
        %run_scoped3A = tpu.sem_alloc : memref<!tpu.dma_semaphore, #tpu.memory_space<semaphore_mem>>
        %dma_start3A = tpu.memref_slice %arg2[%mul3A_117] : memref<98304xf32, #tpu.memory_space<hbm>> -> memref<4096xf32, #tpu.memory_space<hbm>>
        %dma_start3A_154 = tpu.memref_slice %arg2[%mul3A_117] : memref<98304xf32, #tpu.memory_space<hbm>> -> memref<4096xf32, #tpu.memory_space<hbm>>
        tpu.enqueue_dma source(%dma_start3A_154 : memref<4096xf32, #tpu.memory_space<hbm>>) target(%arg5 : memref<4096xf32, #tpu.memory_space<vmem>>) target_semaphore(%run_scoped3A : memref<!tpu.dma_semaphore, #tpu.memory_space<semaphore_mem>>)
        %dma_wait3A = tpu.memref_slice %arg2[%mul3A_117] : memref<98304xf32, #tpu.memory_space<hbm>> -> memref<4096xf32, #tpu.memory_space<hbm>>
        %dma_wait3A_155 = tpu.memref_slice %arg2[%mul3A_117] : memref<98304xf32, #tpu.memory_space<hbm>> -> memref<4096xf32, #tpu.memory_space<hbm>>
        tpu.wait_dma2 semaphore(%run_scoped3A : memref<!tpu.dma_semaphore, #tpu.memory_space<semaphore_mem>>) src(%dma_wait3A_155 : memref<4096xf32, #tpu.memory_space<hbm>>) dst(%arg5 : memref<4096xf32, #tpu.memory_space<vmem>>)
        tpu.yield
      }) : () -> ()
      %mul3A_118 = arith.constant 4 : i32
      %mul3A_119 = arith.muli %select_n3A_59, %mul3A_118 : i32
      %add3A_120 = arith.addi %mul3A_119, %sub3A_112 : i32
      %mul3A_121 = arith.constant 4096 : i32
      %mul3A_122 = arith.muli %add3A_120, %mul3A_121 : i32
      %add3A_123 = arith.constant 32768 : i32
      %add3A_124 = arith.addi %add3A_123, %mul3A_122 : i32
      "tpu.region"() ({
        %run_scoped3A = tpu.sem_alloc : memref<!tpu.dma_semaphore, #tpu.memory_space<semaphore_mem>>
        %dma_start3A = tpu.memref_slice %arg2[%add3A_124] : memref<98304xf32, #tpu.memory_space<hbm>> -> memref<4096xf32, #tpu.memory_space<hbm>>
        %dma_start3A_154 = tpu.memref_slice %arg2[%add3A_124] : memref<98304xf32, #tpu.memory_space<hbm>> -> memref<4096xf32, #tpu.memory_space<hbm>>
        tpu.enqueue_dma source(%dma_start3A_154 : memref<4096xf32, #tpu.memory_space<hbm>>) target(%arg6 : memref<4096xf32, #tpu.memory_space<vmem>>) target_semaphore(%run_scoped3A : memref<!tpu.dma_semaphore, #tpu.memory_space<semaphore_mem>>)
        %dma_wait3A = tpu.memref_slice %arg2[%add3A_124] : memref<98304xf32, #tpu.memory_space<hbm>> -> memref<4096xf32, #tpu.memory_space<hbm>>
        %dma_wait3A_155 = tpu.memref_slice %arg2[%add3A_124] : memref<98304xf32, #tpu.memory_space<hbm>> -> memref<4096xf32, #tpu.memory_space<hbm>>
        tpu.wait_dma2 semaphore(%run_scoped3A : memref<!tpu.dma_semaphore, #tpu.memory_space<semaphore_mem>>) src(%dma_wait3A_155 : memref<4096xf32, #tpu.memory_space<hbm>>) dst(%arg6 : memref<4096xf32, #tpu.memory_space<vmem>>)
        tpu.yield
      }) : () -> ()
      %mul3A_125 = arith.constant 4 : i32
      %mul3A_126 = arith.muli %select_n3A_59, %mul3A_125 : i32
      %add3A_127 = arith.addi %mul3A_126, %sub3A_112 : i32
      %mul3A_128 = arith.constant 4096 : i32
      %mul3A_129 = arith.muli %add3A_127, %mul3A_128 : i32
      %add3A_130 = arith.constant 65536 : i32
      %add3A_131 = arith.addi %add3A_130, %mul3A_129 : i32
      "tpu.region"() ({
        %run_scoped3A = tpu.sem_alloc : memref<!tpu.dma_semaphore, #tpu.memory_space<semaphore_mem>>
        %dma_start3A = tpu.memref_slice %arg2[%add3A_131] : memref<98304xf32, #tpu.memory_space<hbm>> -> memref<4096xf32, #tpu.memory_space<hbm>>
        %dma_start3A_154 = tpu.memref_slice %arg2[%add3A_131] : memref<98304xf32, #tpu.memory_space<hbm>> -> memref<4096xf32, #tpu.memory_space<hbm>>
        tpu.enqueue_dma source(%dma_start3A_154 : memref<4096xf32, #tpu.memory_space<hbm>>) target(%arg7 : memref<4096xf32, #tpu.memory_space<vmem>>) target_semaphore(%run_scoped3A : memref<!tpu.dma_semaphore, #tpu.memory_space<semaphore_mem>>)
        %dma_wait3A = tpu.memref_slice %arg2[%add3A_131] : memref<98304xf32, #tpu.memory_space<hbm>> -> memref<4096xf32, #tpu.memory_space<hbm>>
        %dma_wait3A_155 = tpu.memref_slice %arg2[%add3A_131] : memref<98304xf32, #tpu.memory_space<hbm>> -> memref<4096xf32, #tpu.memory_space<hbm>>
        tpu.wait_dma2 semaphore(%run_scoped3A : memref<!tpu.dma_semaphore, #tpu.memory_space<semaphore_mem>>) src(%dma_wait3A_155 : memref<4096xf32, #tpu.memory_space<hbm>>) dst(%arg7 : memref<4096xf32, #tpu.memory_space<vmem>>)
        tpu.yield
      }) : () -> ()
      %mul3A_132 = arith.constant 4 : i32
      %mul3A_133 = arith.muli %select_n3A_59, %mul3A_132 : i32
      %add3A_134 = arith.addi %mul3A_133, %select_n3A_109 : i32
      %mul3A_135 = arith.constant 1024 : i32
      %mul3A_136 = arith.muli %add3A_134, %mul3A_135 : i32
      %add3A_137 = arith.addi %mul3A_136, %mul3A_43 : i32
      "tpu.region"() ({
        %run_scoped3A = tpu.sem_alloc : memref<!tpu.dma_semaphore, #tpu.memory_space<semaphore_mem>>
        %dma_start3A = tpu.memref_slice %arg3[%add3A_137] : memref<24576xf32, #tpu.memory_space<hbm>> -> memref<128xf32, #tpu.memory_space<hbm>>
        %dma_start3A_154 = tpu.memref_slice %arg3[%add3A_137] : memref<24576xf32, #tpu.memory_space<hbm>> -> memref<128xf32, #tpu.memory_space<hbm>>
        tpu.enqueue_dma source(%dma_start3A_154 : memref<128xf32, #tpu.memory_space<hbm>>) target(%arg8 : memref<128xf32, #tpu.memory_space<vmem>>) target_semaphore(%run_scoped3A : memref<!tpu.dma_semaphore, #tpu.memory_space<semaphore_mem>>)
        %dma_wait3A = tpu.memref_slice %arg3[%add3A_137] : memref<24576xf32, #tpu.memory_space<hbm>> -> memref<128xf32, #tpu.memory_space<hbm>>
        %dma_wait3A_155 = tpu.memref_slice %arg3[%add3A_137] : memref<24576xf32, #tpu.memory_space<hbm>> -> memref<128xf32, #tpu.memory_space<hbm>>
        tpu.wait_dma2 semaphore(%run_scoped3A : memref<!tpu.dma_semaphore, #tpu.memory_space<semaphore_mem>>) src(%dma_wait3A_155 : memref<128xf32, #tpu.memory_space<hbm>>) dst(%arg8 : memref<128xf32, #tpu.memory_space<vmem>>)
        tpu.yield
      }) : () -> ()
      %add3A_138 = arith.constant 8192 : i32
      %add3A_139 = arith.addi %add3A_138, %add3A_137 : i32
      "tpu.region"() ({
        %run_scoped3A = tpu.sem_alloc : memref<!tpu.dma_semaphore, #tpu.memory_space<semaphore_mem>>
        %dma_start3A = tpu.memref_slice %arg3[%add3A_139] : memref<24576xf32, #tpu.memory_space<hbm>> -> memref<128xf32, #tpu.memory_space<hbm>>
        %dma_start3A_154 = tpu.memref_slice %arg3[%add3A_139] : memref<24576xf32, #tpu.memory_space<hbm>> -> memref<128xf32, #tpu.memory_space<hbm>>
        tpu.enqueue_dma source(%dma_start3A_154 : memref<128xf32, #tpu.memory_space<hbm>>) target(%arg9 : memref<128xf32, #tpu.memory_space<vmem>>) target_semaphore(%run_scoped3A : memref<!tpu.dma_semaphore, #tpu.memory_space<semaphore_mem>>)
        %dma_wait3A = tpu.memref_slice %arg3[%add3A_139] : memref<24576xf32, #tpu.memory_space<hbm>> -> memref<128xf32, #tpu.memory_space<hbm>>
        %dma_wait3A_155 = tpu.memref_slice %arg3[%add3A_139] : memref<24576xf32, #tpu.memory_space<hbm>> -> memref<128xf32, #tpu.memory_space<hbm>>
        tpu.wait_dma2 semaphore(%run_scoped3A : memref<!tpu.dma_semaphore, #tpu.memory_space<semaphore_mem>>) src(%dma_wait3A_155 : memref<128xf32, #tpu.memory_space<hbm>>) dst(%arg9 : memref<128xf32, #tpu.memory_space<vmem>>)
        tpu.yield
      }) : () -> ()
      %add3A_140 = arith.constant 16384 : i32
      %add3A_141 = arith.addi %add3A_140, %add3A_137 : i32
      "tpu.region"() ({
        %run_scoped3A = tpu.sem_alloc : memref<!tpu.dma_semaphore, #tpu.memory_space<semaphore_mem>>
        %dma_start3A = tpu.memref_slice %arg3[%add3A_141] : memref<24576xf32, #tpu.memory_space<hbm>> -> memref<128xf32, #tpu.memory_space<hbm>>
        %dma_start3A_154 = tpu.memref_slice %arg3[%add3A_141] : memref<24576xf32, #tpu.memory_space<hbm>> -> memref<128xf32, #tpu.memory_space<hbm>>
        tpu.enqueue_dma source(%dma_start3A_154 : memref<128xf32, #tpu.memory_space<hbm>>) target(%arg10 : memref<128xf32, #tpu.memory_space<vmem>>) target_semaphore(%run_scoped3A : memref<!tpu.dma_semaphore, #tpu.memory_space<semaphore_mem>>)
        %dma_wait3A = tpu.memref_slice %arg3[%add3A_141] : memref<24576xf32, #tpu.memory_space<hbm>> -> memref<128xf32, #tpu.memory_space<hbm>>
        %dma_wait3A_155 = tpu.memref_slice %arg3[%add3A_141] : memref<24576xf32, #tpu.memory_space<hbm>> -> memref<128xf32, #tpu.memory_space<hbm>>
        tpu.wait_dma2 semaphore(%run_scoped3A : memref<!tpu.dma_semaphore, #tpu.memory_space<semaphore_mem>>) src(%dma_wait3A_155 : memref<128xf32, #tpu.memory_space<hbm>>) dst(%arg10 : memref<128xf32, #tpu.memory_space<vmem>>)
        tpu.yield
      }) : () -> ()
      %scan3A_142 = arith.constant 0 : i32
      %scan3A_143 = arith.constant 0 : i32
      %scan3A_144 = arith.constant 128 : i32
      %scan3A_145 = arith.addi %scan3A_143, %scan3A_144 : i32
      %scan3A_146 = arith.constant 1 : i32
      %scan3A_147 = scf.for %scan3A_154 = %scan3A_143 to %scan3A_145 step %scan3A_146 iter_args(%scan3A_155 = %scan3A_142) -> (i32)  : i32 {
        %broadcast_in_dim3A = vector.broadcast %scan3A_154 : i32 to vector<16xi32>
        %gather3A = tpu.vector_load_idx %arg8[%broadcast_in_dim3A] : memref<128xf32, #tpu.memory_space<vmem>>[vector<16xi32>], vector<16xf32>,
        %gather3A_156 = tpu.vector_load_idx %arg9[%broadcast_in_dim3A] : memref<128xf32, #tpu.memory_space<vmem>>[vector<16xi32>], vector<16xf32>,
        %gather3A_157 = tpu.vector_load_idx %arg10[%broadcast_in_dim3A] : memref<128xf32, #tpu.memory_space<vmem>>[vector<16xi32>], vector<16xf32>,
        %while3A = arith.constant 0 : i32
        %while3A_158 = arith.constant 0 : i32
        %while3A_159:2 = scf.while (%while3A_220 = %while3A, %while3A_221 = %while3A_158) : (i32, i32) -> (i32, i32) {
          %lt3A_222 = arith.constant 32 : i32
          %lt3A_223 = arith.cmpi slt, %while3A_220, %lt3A_222 : i32
          %lt3A_224 = arith.constant 256 : i32
          %lt3A_225 = arith.cmpi slt, %while3A_221, %lt3A_224 : i32
          %and3A_226 = arith.andi %lt3A_223, %lt3A_225 : i1
          scf.condition(%and3A_226) %while3A_220, %while3A_221 : i32, i32
        } do {
        ^bb0(%while3A_220: i32, %while3A_221: i32):
          %add3A_222 = arith.constant 0 : i32
          %add3A_223 = arith.addi %while3A_221, %add3A_222 : i32
          %mul3A_224 = arith.constant 16 : i32
          %mul3A_225 = arith.muli %add3A_223, %mul3A_224 : i32
          %get3A_226 = arith.index_cast %mul3A_225 : i32 to index
          %get3A_227 = tpu.vector_load %arg5[%get3A_226] {strides = array<i32>} : memref<4096xf32, #tpu.memory_space<vmem>>, vector<16xf32>,
          %sub3A_228 = arith.subf %get3A_227, %gather3A : vector<16xf32>
          %get3A_229 = arith.index_cast %mul3A_225 : i32 to index
          %get3A_230 = tpu.vector_load %arg6[%get3A_229] {strides = array<i32>} : memref<4096xf32, #tpu.memory_space<vmem>>, vector<16xf32>,
          %sub3A_231 = arith.subf %get3A_230, %gather3A_156 : vector<16xf32>
          %get3A_232 = arith.index_cast %mul3A_225 : i32 to index
          %get3A_233 = tpu.vector_load %arg7[%get3A_232] {strides = array<i32>} : memref<4096xf32, #tpu.memory_space<vmem>>, vector<16xf32>,
          %sub3A_234 = arith.subf %get3A_233, %gather3A_157 : vector<16xf32>
          %mul3A_235 = arith.mulf %sub3A_228, %sub3A_228 : vector<16xf32>
          %min3A = arith.constant 3.000000e+00 : f32
          %min3A_236 = vector.broadcast %min3A : f32 to vector<16xf32>
          %min3A_237 = arith.minimumf %mul3A_235, %min3A_236 : vector<16xf32>
          %mul3A_238 = arith.mulf %sub3A_231, %sub3A_231 : vector<16xf32>
          %min3A_239 = arith.constant 3.000000e+00 : f32
          %min3A_240 = vector.broadcast %min3A_239 : f32 to vector<16xf32>
          %min3A_241 = arith.minimumf %mul3A_238, %min3A_240 : vector<16xf32>
          %add3A_242 = arith.addf %min3A_237, %min3A_241 : vector<16xf32>
          %mul3A_243 = arith.mulf %sub3A_234, %sub3A_234 : vector<16xf32>
          %min3A_244 = arith.constant 3.000000e+00 : f32
          %min3A_245 = vector.broadcast %min3A_244 : f32 to vector<16xf32>
          %min3A_246 = arith.minimumf %mul3A_243, %min3A_245 : vector<16xf32>
          %add3A_247 = arith.addf %add3A_242, %min3A_246 : vector<16xf32>
          %lt3A_248 = arith.constant 9.000000e-02 : f32
          %lt3A_249 = vector.broadcast %lt3A_248 : f32 to vector<16xf32>
          %lt3A_250 = arith.cmpf olt, %add3A_247, %lt3A_249 : vector<16xf32>
          %swap3A = arith.index_cast %while3A_220 : i32 to index
          %swap3A_251 = tpu.vector_load %arg11[%swap3A] masked %lt3A_250 {strides = array<i32>} : memref<160xf32, #tpu.memory_space<vmem>>, vector<16xf32>, vector<16xi1>
          tpu.vector_store %arg11[%swap3A], %sub3A_228 masked %lt3A_250 {strides = array<i32>} : memref<160xf32, #tpu.memory_space<vmem>>, vector<16xf32>, vector<16xi1>
          %swap3A_252 = arith.index_cast %while3A_220 : i32 to index
          %swap3A_253 = tpu.vector_load %arg12[%swap3A_252] masked %lt3A_250 {strides = array<i32>} : memref<160xf32, #tpu.memory_space<vmem>>, vector<16xf32>, vector<16xi1>
          tpu.vector_store %arg12[%swap3A_252], %sub3A_231 masked %lt3A_250 {strides = array<i32>} : memref<160xf32, #tpu.memory_space<vmem>>, vector<16xf32>, vector<16xi1>
          %swap3A_254 = arith.index_cast %while3A_220 : i32 to index
          %swap3A_255 = tpu.vector_load %arg13[%swap3A_254] masked %lt3A_250 {strides = array<i32>} : memref<160xf32, #tpu.memory_space<vmem>>, vector<16xf32>, vector<16xi1>
          tpu.vector_store %arg13[%swap3A_254], %sub3A_234 masked %lt3A_250 {strides = array<i32>} : memref<160xf32, #tpu.memory_space<vmem>>, vector<16xf32>, vector<16xi1>
          %all_reduce_population_count3A = tpu.all_reduce %lt3A_250 {dim = 0 : i64, kind = #tpu.reduction_kind<sum>} : vector<16xi1> -> vector<16xi32>
          %slice3A = vector.extract_strided_slice %all_reduce_population_count3A {offsets = [0], sizes = [1], strides = [1]} : vector<16xi32> to vector<1xi32>
          %squeeze3A = vector.extract %slice3A[0] : i32 from vector<1xi32>
          %add3A_256 = arith.addi %while3A_220, %squeeze3A : i32
          %add3A_257 = arith.constant 1 : i32
          %add3A_258 = arith.addi %while3A_221, %add3A_257 : i32
          %mul3A_259 = arith.constant 16 : i32
          %mul3A_260 = arith.muli %add3A_258, %mul3A_259 : i32
          %get3A_261 = arith.index_cast %mul3A_260 : i32 to index
          %get3A_262 = tpu.vector_load %arg5[%get3A_261] {strides = array<i32>} : memref<4096xf32, #tpu.memory_space<vmem>>, vector<16xf32>,
          %sub3A_263 = arith.subf %get3A_262, %gather3A : vector<16xf32>
          %get3A_264 = arith.index_cast %mul3A_260 : i32 to index
          %get3A_265 = tpu.vector_load %arg6[%get3A_264] {strides = array<i32>} : memref<4096xf32, #tpu.memory_space<vmem>>, vector<16xf32>,
          %sub3A_266 = arith.subf %get3A_265, %gather3A_156 : vector<16xf32>
          %get3A_267 = arith.index_cast %mul3A_260 : i32 to index
          %get3A_268 = tpu.vector_load %arg7[%get3A_267] {strides = array<i32>} : memref<4096xf32, #tpu.memory_space<vmem>>, vector<16xf32>,
          %sub3A_269 = arith.subf %get3A_268, %gather3A_157 : vector<16xf32>
          %mul3A_270 = arith.mulf %sub3A_263, %sub3A_263 : vector<16xf32>
          %min3A_271 = arith.constant 3.000000e+00 : f32
          %min3A_272 = vector.broadcast %min3A_271 : f32 to vector<16xf32>
          %min3A_273 = arith.minimumf %mul3A_270, %min3A_272 : vector<16xf32>
          %mul3A_274 = arith.mulf %sub3A_266, %sub3A_266 : vector<16xf32>
          %min3A_275 = arith.constant 3.000000e+00 : f32
          %min3A_276 = vector.broadcast %min3A_275 : f32 to vector<16xf32>
          %min3A_277 = arith.minimumf %mul3A_274, %min3A_276 : vector<16xf32>
          %add3A_278 = arith.addf %min3A_273, %min3A_277 : vector<16xf32>
          %mul3A_279 = arith.mulf %sub3A_269, %sub3A_269 : vector<16xf32>
          %min3A_280 = arith.constant 3.000000e+00 : f32
          %min3A_281 = vector.broadcast %min3A_280 : f32 to vector<16xf32>
          %min3A_282 = arith.minimumf %mul3A_279, %min3A_281 : vector<16xf32>
          %add3A_283 = arith.addf %add3A_278, %min3A_282 : vector<16xf32>
          %lt3A_284 = arith.constant 9.000000e-02 : f32
          %lt3A_285 = vector.broadcast %lt3A_284 : f32 to vector<16xf32>
          %lt3A_286 = arith.cmpf olt, %add3A_283, %lt3A_285 : vector<16xf32>
          %swap3A_287 = arith.index_cast %add3A_256 : i32 to index
          %swap3A_288 = tpu.vector_load %arg11[%swap3A_287] masked %lt3A_286 {strides = array<i32>} : memref<160xf32, #tpu.memory_space<vmem>>, vector<16xf32>, vector<16xi1>
          tpu.vector_store %arg11[%swap3A_287], %sub3A_263 masked %lt3A_286 {strides = array<i32>} : memref<160xf32, #tpu.memory_space<vmem>>, vector<16xf32>, vector<16xi1>
          %swap3A_289 = arith.index_cast %add3A_256 : i32 to index
          %swap3A_290 = tpu.vector_load %arg12[%swap3A_289] masked %lt3A_286 {strides = array<i32>} : memref<160xf32, #tpu.memory_space<vmem>>, vector<16xf32>, vector<16xi1>
          tpu.vector_store %arg12[%swap3A_289], %sub3A_266 masked %lt3A_286 {strides = array<i32>} : memref<160xf32, #tpu.memory_space<vmem>>, vector<16xf32>, vector<16xi1>
          %swap3A_291 = arith.index_cast %add3A_256 : i32 to index
          %swap3A_292 = tpu.vector_load %arg13[%swap3A_291] masked %lt3A_286 {strides = array<i32>} : memref<160xf32, #tpu.memory_space<vmem>>, vector<16xf32>, vector<16xi1>
          tpu.vector_store %arg13[%swap3A_291], %sub3A_269 masked %lt3A_286 {strides = array<i32>} : memref<160xf32, #tpu.memory_space<vmem>>, vector<16xf32>, vector<16xi1>
          %all_reduce_population_count3A_293 = tpu.all_reduce %lt3A_286 {dim = 0 : i64, kind = #tpu.reduction_kind<sum>} : vector<16xi1> -> vector<16xi32>
          %slice3A_294 = vector.extract_strided_slice %all_reduce_population_count3A_293 {offsets = [0], sizes = [1], strides = [1]} : vector<16xi32> to vector<1xi32>
          %squeeze3A_295 = vector.extract %slice3A_294[0] : i32 from vector<1xi32>
          %add3A_296 = arith.addi %add3A_256, %squeeze3A_295 : i32
          %add3A_297 = arith.constant 2 : i32
          %add3A_298 = arith.addi %while3A_221, %add3A_297 : i32
          %mul3A_299 = arith.constant 16 : i32
          %mul3A_300 = arith.muli %add3A_298, %mul3A_299 : i32
          %get3A_301 = arith.index_cast %mul3A_300 : i32 to index
          %get3A_302 = tpu.vector_load %arg5[%get3A_301] {strides = array<i32>} : memref<4096xf32, #tpu.memory_space<vmem>>, vector<16xf32>,
          %sub3A_303 = arith.subf %get3A_302, %gather3A : vector<16xf32>
          %get3A_304 = arith.index_cast %mul3A_300 : i32 to index
          %get3A_305 = tpu.vector_load %arg6[%get3A_304] {strides = array<i32>} : memref<4096xf32, #tpu.memory_space<vmem>>, vector<16xf32>,
          %sub3A_306 = arith.subf %get3A_305, %gather3A_156 : vector<16xf32>
          %get3A_307 = arith.index_cast %mul3A_300 : i32 to index
          %get3A_308 = tpu.vector_load %arg7[%get3A_307] {strides = array<i32>} : memref<4096xf32, #tpu.memory_space<vmem>>, vector<16xf32>,
          %sub3A_309 = arith.subf %get3A_308, %gather3A_157 : vector<16xf32>
          %mul3A_310 = arith.mulf %sub3A_303, %sub3A_303 : vector<16xf32>
          %min3A_311 = arith.constant 3.000000e+00 : f32
          %min3A_312 = vector.broadcast %min3A_311 : f32 to vector<16xf32>
          %min3A_313 = arith.minimumf %mul3A_310, %min3A_312 : vector<16xf32>
          %mul3A_314 = arith.mulf %sub3A_306, %sub3A_306 : vector<16xf32>
          %min3A_315 = arith.constant 3.000000e+00 : f32
          %min3A_316 = vector.broadcast %min3A_315 : f32 to vector<16xf32>
          %min3A_317 = arith.minimumf %mul3A_314, %min3A_316 : vector<16xf32>
          %add3A_318 = arith.addf %min3A_313, %min3A_317 : vector<16xf32>
          %mul3A_319 = arith.mulf %sub3A_309, %sub3A_309 : vector<16xf32>
          %min3A_320 = arith.constant 3.000000e+00 : f32
          %min3A_321 = vector.broadcast %min3A_320 : f32 to vector<16xf32>
          %min3A_322 = arith.minimumf %mul3A_319, %min3A_321 : vector<16xf32>
          %add3A_323 = arith.addf %add3A_318, %min3A_322 : vector<16xf32>
          %lt3A_324 = arith.constant 9.000000e-02 : f32
          %lt3A_325 = vector.broadcast %lt3A_324 : f32 to vector<16xf32>
          %lt3A_326 = arith.cmpf olt, %add3A_323, %lt3A_325 : vector<16xf32>
          %swap3A_327 = arith.index_cast %add3A_296 : i32 to index
          %swap3A_328 = tpu.vector_load %arg11[%swap3A_327] masked %lt3A_326 {strides = array<i32>} : memref<160xf32, #tpu.memory_space<vmem>>, vector<16xf32>, vector<16xi1>
          tpu.vector_store %arg11[%swap3A_327], %sub3A_303 masked %lt3A_326 {strides = array<i32>} : memref<160xf32, #tpu.memory_space<vmem>>, vector<16xf32>, vector<16xi1>
          %swap3A_329 = arith.index_cast %add3A_296 : i32 to index
          %swap3A_330 = tpu.vector_load %arg12[%swap3A_329] masked %lt3A_326 {strides = array<i32>} : memref<160xf32, #tpu.memory_space<vmem>>, vector<16xf32>, vector<16xi1>
          tpu.vector_store %arg12[%swap3A_329], %sub3A_306 masked %lt3A_326 {strides = array<i32>} : memref<160xf32, #tpu.memory_space<vmem>>, vector<16xf32>, vector<16xi1>
          %swap3A_331 = arith.index_cast %add3A_296 : i32 to index
          %swap3A_332 = tpu.vector_load %arg13[%swap3A_331] masked %lt3A_326 {strides = array<i32>} : memref<160xf32, #tpu.memory_space<vmem>>, vector<16xf32>, vector<16xi1>
          tpu.vector_store %arg13[%swap3A_331], %sub3A_309 masked %lt3A_326 {strides = array<i32>} : memref<160xf32, #tpu.memory_space<vmem>>, vector<16xf32>, vector<16xi1>
          %all_reduce_population_count3A_333 = tpu.all_reduce %lt3A_326 {dim = 0 : i64, kind = #tpu.reduction_kind<sum>} : vector<16xi1> -> vector<16xi32>
          %slice3A_334 = vector.extract_strided_slice %all_reduce_population_count3A_333 {offsets = [0], sizes = [1], strides = [1]} : vector<16xi32> to vector<1xi32>
          %squeeze3A_335 = vector.extract %slice3A_334[0] : i32 from vector<1xi32>
          %add3A_336 = arith.addi %add3A_296, %squeeze3A_335 : i32
          %add3A_337 = arith.constant 3 : i32
          %add3A_338 = arith.addi %while3A_221, %add3A_337 : i32
          %mul3A_339 = arith.constant 16 : i32
          %mul3A_340 = arith.muli %add3A_338, %mul3A_339 : i32
          %get3A_341 = arith.index_cast %mul3A_340 : i32 to index
          %get3A_342 = tpu.vector_load %arg5[%get3A_341] {strides = array<i32>} : memref<4096xf32, #tpu.memory_space<vmem>>, vector<16xf32>,
          %sub3A_343 = arith.subf %get3A_342, %gather3A : vector<16xf32>
          %get3A_344 = arith.index_cast %mul3A_340 : i32 to index
          %get3A_345 = tpu.vector_load %arg6[%get3A_344] {strides = array<i32>} : memref<4096xf32, #tpu.memory_space<vmem>>, vector<16xf32>,
          %sub3A_346 = arith.subf %get3A_345, %gather3A_156 : vector<16xf32>
          %get3A_347 = arith.index_cast %mul3A_340 : i32 to index
          %get3A_348 = tpu.vector_load %arg7[%get3A_347] {strides = array<i32>} : memref<4096xf32, #tpu.memory_space<vmem>>, vector<16xf32>,
          %sub3A_349 = arith.subf %get3A_348, %gather3A_157 : vector<16xf32>
          %mul3A_350 = arith.mulf %sub3A_343, %sub3A_343 : vector<16xf32>
          %min3A_351 = arith.constant 3.000000e+00 : f32
          %min3A_352 = vector.broadcast %min3A_351 : f32 to vector<16xf32>
          %min3A_353 = arith.minimumf %mul3A_350, %min3A_352 : vector<16xf32>
          %mul3A_354 = arith.mulf %sub3A_346, %sub3A_346 : vector<16xf32>
          %min3A_355 = arith.constant 3.000000e+00 : f32
          %min3A_356 = vector.broadcast %min3A_355 : f32 to vector<16xf32>
          %min3A_357 = arith.minimumf %mul3A_354, %min3A_356 : vector<16xf32>
          %add3A_358 = arith.addf %min3A_353, %min3A_357 : vector<16xf32>
          %mul3A_359 = arith.mulf %sub3A_349, %sub3A_349 : vector<16xf32>
          %min3A_360 = arith.constant 3.000000e+00 : f32
          %min3A_361 = vector.broadcast %min3A_360 : f32 to vector<16xf32>
          %min3A_362 = arith.minimumf %mul3A_359, %min3A_361 : vector<16xf32>
          %add3A_363 = arith.addf %add3A_358, %min3A_362 : vector<16xf32>
          %lt3A_364 = arith.constant 9.000000e-02 : f32
          %lt3A_365 = vector.broadcast %lt3A_364 : f32 to vector<16xf32>
          %lt3A_366 = arith.cmpf olt, %add3A_363, %lt3A_365 : vector<16xf32>
          %swap3A_367 = arith.index_cast %add3A_336 : i32 to index
          %swap3A_368 = tpu.vector_load %arg11[%swap3A_367] masked %lt3A_366 {strides = array<i32>} : memref<160xf32, #tpu.memory_space<vmem>>, vector<16xf32>, vector<16xi1>
          tpu.vector_store %arg11[%swap3A_367], %sub3A_343 masked %lt3A_366 {strides = array<i32>} : memref<160xf32, #tpu.memory_space<vmem>>, vector<16xf32>, vector<16xi1>
          %swap3A_369 = arith.index_cast %add3A_336 : i32 to index
          %swap3A_370 = tpu.vector_load %arg12[%swap3A_369] masked %lt3A_366 {strides = array<i32>} : memref<160xf32, #tpu.memory_space<vmem>>, vector<16xf32>, vector<16xi1>
          tpu.vector_store %arg12[%swap3A_369], %sub3A_346 masked %lt3A_366 {strides = array<i32>} : memref<160xf32, #tpu.memory_space<vmem>>, vector<16xf32>, vector<16xi1>
          %swap3A_371 = arith.index_cast %add3A_336 : i32 to index
          %swap3A_372 = tpu.vector_load %arg13[%swap3A_371] masked %lt3A_366 {strides = array<i32>} : memref<160xf32, #tpu.memory_space<vmem>>, vector<16xf32>, vector<16xi1>
          tpu.vector_store %arg13[%swap3A_371], %sub3A_349 masked %lt3A_366 {strides = array<i32>} : memref<160xf32, #tpu.memory_space<vmem>>, vector<16xf32>, vector<16xi1>
          %all_reduce_population_count3A_373 = tpu.all_reduce %lt3A_366 {dim = 0 : i64, kind = #tpu.reduction_kind<sum>} : vector<16xi1> -> vector<16xi32>
          %slice3A_374 = vector.extract_strided_slice %all_reduce_population_count3A_373 {offsets = [0], sizes = [1], strides = [1]} : vector<16xi32> to vector<1xi32>
          %squeeze3A_375 = vector.extract %slice3A_374[0] : i32 from vector<1xi32>
          %add3A_376 = arith.addi %add3A_336, %squeeze3A_375 : i32
          %add3A_377 = arith.constant 4 : i32
          %add3A_378 = arith.addi %while3A_221, %add3A_377 : i32
          %mul3A_379 = arith.constant 16 : i32
          %mul3A_380 = arith.muli %add3A_378, %mul3A_379 : i32
          %get3A_381 = arith.index_cast %mul3A_380 : i32 to index
          %get3A_382 = tpu.vector_load %arg5[%get3A_381] {strides = array<i32>} : memref<4096xf32, #tpu.memory_space<vmem>>, vector<16xf32>,
          %sub3A_383 = arith.subf %get3A_382, %gather3A : vector<16xf32>
          %get3A_384 = arith.index_cast %mul3A_380 : i32 to index
          %get3A_385 = tpu.vector_load %arg6[%get3A_384] {strides = array<i32>} : memref<4096xf32, #tpu.memory_space<vmem>>, vector<16xf32>,
          %sub3A_386 = arith.subf %get3A_385, %gather3A_156 : vector<16xf32>
          %get3A_387 = arith.index_cast %mul3A_380 : i32 to index
          %get3A_388 = tpu.vector_load %arg7[%get3A_387] {strides = array<i32>} : memref<4096xf32, #tpu.memory_space<vmem>>, vector<16xf32>,
          %sub3A_389 = arith.subf %get3A_388, %gather3A_157 : vector<16xf32>
          %mul3A_390 = arith.mulf %sub3A_383, %sub3A_383 : vector<16xf32>
          %min3A_391 = arith.constant 3.000000e+00 : f32
          %min3A_392 = vector.broadcast %min3A_391 : f32 to vector<16xf32>
          %min3A_393 = arith.minimumf %mul3A_390, %min3A_392 : vector<16xf32>
          %mul3A_394 = arith.mulf %sub3A_386, %sub3A_386 : vector<16xf32>
          %min3A_395 = arith.constant 3.000000e+00 : f32
          %min3A_396 = vector.broadcast %min3A_395 : f32 to vector<16xf32>
          %min3A_397 = arith.minimumf %mul3A_394, %min3A_396 : vector<16xf32>
          %add3A_398 = arith.addf %min3A_393, %min3A_397 : vector<16xf32>
          %mul3A_399 = arith.mulf %sub3A_389, %sub3A_389 : vector<16xf32>
          %min3A_400 = arith.constant 3.000000e+00 : f32
          %min3A_401 = vector.broadcast %min3A_400 : f32 to vector<16xf32>
          %min3A_402 = arith.minimumf %mul3A_399, %min3A_401 : vector<16xf32>
          %add3A_403 = arith.addf %add3A_398, %min3A_402 : vector<16xf32>
          %lt3A_404 = arith.constant 9.000000e-02 : f32
          %lt3A_405 = vector.broadcast %lt3A_404 : f32 to vector<16xf32>
          %lt3A_406 = arith.cmpf olt, %add3A_403, %lt3A_405 : vector<16xf32>
          %swap3A_407 = arith.index_cast %add3A_376 : i32 to index
          %swap3A_408 = tpu.vector_load %arg11[%swap3A_407] masked %lt3A_406 {strides = array<i32>} : memref<160xf32, #tpu.memory_space<vmem>>, vector<16xf32>, vector<16xi1>
          tpu.vector_store %arg11[%swap3A_407], %sub3A_383 masked %lt3A_406 {strides = array<i32>} : memref<160xf32, #tpu.memory_space<vmem>>, vector<16xf32>, vector<16xi1>
          %swap3A_409 = arith.index_cast %add3A_376 : i32 to index
          %swap3A_410 = tpu.vector_load %arg12[%swap3A_409] masked %lt3A_406 {strides = array<i32>} : memref<160xf32, #tpu.memory_space<vmem>>, vector<16xf32>, vector<16xi1>
          tpu.vector_store %arg12[%swap3A_409], %sub3A_386 masked %lt3A_406 {strides = array<i32>} : memref<160xf32, #tpu.memory_space<vmem>>, vector<16xf32>, vector<16xi1>
          %swap3A_411 = arith.index_cast %add3A_376 : i32 to index
          %swap3A_412 = tpu.vector_load %arg13[%swap3A_411] masked %lt3A_406 {strides = array<i32>} : memref<160xf32, #tpu.memory_space<vmem>>, vector<16xf32>, vector<16xi1>
          tpu.vector_store %arg13[%swap3A_411], %sub3A_389 masked %lt3A_406 {strides = array<i32>} : memref<160xf32, #tpu.memory_space<vmem>>, vector<16xf32>, vector<16xi1>
          %all_reduce_population_count3A_413 = tpu.all_reduce %lt3A_406 {dim = 0 : i64, kind = #tpu.reduction_kind<sum>} : vector<16xi1> -> vector<16xi32>
          %slice3A_414 = vector.extract_strided_slice %all_reduce_population_count3A_413 {offsets = [0], sizes = [1], strides = [1]} : vector<16xi32> to vector<1xi32>
          %squeeze3A_415 = vector.extract %slice3A_414[0] : i32 from vector<1xi32>
          %add3A_416 = arith.addi %add3A_376, %squeeze3A_415 : i32
          %add3A_417 = arith.constant 5 : i32
          %add3A_418 = arith.addi %while3A_221, %add3A_417 : i32
          %mul3A_419 = arith.constant 16 : i32
          %mul3A_420 = arith.muli %add3A_418, %mul3A_419 : i32
          %get3A_421 = arith.index_cast %mul3A_420 : i32 to index
          %get3A_422 = tpu.vector_load %arg5[%get3A_421] {strides = array<i32>} : memref<4096xf32, #tpu.memory_space<vmem>>, vector<16xf32>,
          %sub3A_423 = arith.subf %get3A_422, %gather3A : vector<16xf32>
          %get3A_424 = arith.index_cast %mul3A_420 : i32 to index
          %get3A_425 = tpu.vector_load %arg6[%get3A_424] {strides = array<i32>} : memref<4096xf32, #tpu.memory_space<vmem>>, vector<16xf32>,
          %sub3A_426 = arith.subf %get3A_425, %gather3A_156 : vector<16xf32>
          %get3A_427 = arith.index_cast %mul3A_420 : i32 to index
          %get3A_428 = tpu.vector_load %arg7[%get3A_427] {strides = array<i32>} : memref<4096xf32, #tpu.memory_space<vmem>>, vector<16xf32>,
          %sub3A_429 = arith.subf %get3A_428, %gather3A_157 : vector<16xf32>
          %mul3A_430 = arith.mulf %sub3A_423, %sub3A_423 : vector<16xf32>
          %min3A_431 = arith.constant 3.000000e+00 : f32
          %min3A_432 = vector.broadcast %min3A_431 : f32 to vector<16xf32>
          %min3A_433 = arith.minimumf %mul3A_430, %min3A_432 : vector<16xf32>
          %mul3A_434 = arith.mulf %sub3A_426, %sub3A_426 : vector<16xf32>
          %min3A_435 = arith.constant 3.000000e+00 : f32
          %min3A_436 = vector.broadcast %min3A_435 : f32 to vector<16xf32>
          %min3A_437 = arith.minimumf %mul3A_434, %min3A_436 : vector<16xf32>
          %add3A_438 = arith.addf %min3A_433, %min3A_437 : vector<16xf32>
          %mul3A_439 = arith.mulf %sub3A_429, %sub3A_429 : vector<16xf32>
          %min3A_440 = arith.constant 3.000000e+00 : f32
          %min3A_441 = vector.broadcast %min3A_440 : f32 to vector<16xf32>
          %min3A_442 = arith.minimumf %mul3A_439, %min3A_441 : vector<16xf32>
          %add3A_443 = arith.addf %add3A_438, %min3A_442 : vector<16xf32>
          %lt3A_444 = arith.constant 9.000000e-02 : f32
          %lt3A_445 = vector.broadcast %lt3A_444 : f32 to vector<16xf32>
          %lt3A_446 = arith.cmpf olt, %add3A_443, %lt3A_445 : vector<16xf32>
          %swap3A_447 = arith.index_cast %add3A_416 : i32 to index
          %swap3A_448 = tpu.vector_load %arg11[%swap3A_447] masked %lt3A_446 {strides = array<i32>} : memref<160xf32, #tpu.memory_space<vmem>>, vector<16xf32>, vector<16xi1>
          tpu.vector_store %arg11[%swap3A_447], %sub3A_423 masked %lt3A_446 {strides = array<i32>} : memref<160xf32, #tpu.memory_space<vmem>>, vector<16xf32>, vector<16xi1>
          %swap3A_449 = arith.index_cast %add3A_416 : i32 to index
          %swap3A_450 = tpu.vector_load %arg12[%swap3A_449] masked %lt3A_446 {strides = array<i32>} : memref<160xf32, #tpu.memory_space<vmem>>, vector<16xf32>, vector<16xi1>
          tpu.vector_store %arg12[%swap3A_449], %sub3A_426 masked %lt3A_446 {strides = array<i32>} : memref<160xf32, #tpu.memory_space<vmem>>, vector<16xf32>, vector<16xi1>
          %swap3A_451 = arith.index_cast %add3A_416 : i32 to index
          %swap3A_452 = tpu.vector_load %arg13[%swap3A_451] masked %lt3A_446 {strides = array<i32>} : memref<160xf32, #tpu.memory_space<vmem>>, vector<16xf32>, vector<16xi1>
          tpu.vector_store %arg13[%swap3A_451], %sub3A_429 masked %lt3A_446 {strides = array<i32>} : memref<160xf32, #tpu.memory_space<vmem>>, vector<16xf32>, vector<16xi1>
          %all_reduce_population_count3A_453 = tpu.all_reduce %lt3A_446 {dim = 0 : i64, kind = #tpu.reduction_kind<sum>} : vector<16xi1> -> vector<16xi32>
          %slice3A_454 = vector.extract_strided_slice %all_reduce_population_count3A_453 {offsets = [0], sizes = [1], strides = [1]} : vector<16xi32> to vector<1xi32>
          %squeeze3A_455 = vector.extract %slice3A_454[0] : i32 from vector<1xi32>
          %add3A_456 = arith.addi %add3A_416, %squeeze3A_455 : i32
          %add3A_457 = arith.constant 6 : i32
          %add3A_458 = arith.addi %while3A_221, %add3A_457 : i32
          %mul3A_459 = arith.constant 16 : i32
          %mul3A_460 = arith.muli %add3A_458, %mul3A_459 : i32
          %get3A_461 = arith.index_cast %mul3A_460 : i32 to index
          %get3A_462 = tpu.vector_load %arg5[%get3A_461] {strides = array<i32>} : memref<4096xf32, #tpu.memory_space<vmem>>, vector<16xf32>,
          %sub3A_463 = arith.subf %get3A_462, %gather3A : vector<16xf32>
          %get3A_464 = arith.index_cast %mul3A_460 : i32 to index
          %get3A_465 = tpu.vector_load %arg6[%get3A_464] {strides = array<i32>} : memref<4096xf32, #tpu.memory_space<vmem>>, vector<16xf32>,
          %sub3A_466 = arith.subf %get3A_465, %gather3A_156 : vector<16xf32>
          %get3A_467 = arith.index_cast %mul3A_460 : i32 to index
          %get3A_468 = tpu.vector_load %arg7[%get3A_467] {strides = array<i32>} : memref<4096xf32, #tpu.memory_space<vmem>>, vector<16xf32>,
          %sub3A_469 = arith.subf %get3A_468, %gather3A_157 : vector<16xf32>
          %mul3A_470 = arith.mulf %sub3A_463, %sub3A_463 : vector<16xf32>
          %min3A_471 = arith.constant 3.000000e+00 : f32
          %min3A_472 = vector.broadcast %min3A_471 : f32 to vector<16xf32>
          %min3A_473 = arith.minimumf %mul3A_470, %min3A_472 : vector<16xf32>
          %mul3A_474 = arith.mulf %sub3A_466, %sub3A_466 : vector<16xf32>
          %min3A_475 = arith.constant 3.000000e+00 : f32
          %min3A_476 = vector.broadcast %min3A_475 : f32 to vector<16xf32>
          %min3A_477 = arith.minimumf %mul3A_474, %min3A_476 : vector<16xf32>
          %add3A_478 = arith.addf %min3A_473, %min3A_477 : vector<16xf32>
          %mul3A_479 = arith.mulf %sub3A_469, %sub3A_469 : vector<16xf32>
          %min3A_480 = arith.constant 3.000000e+00 : f32
          %min3A_481 = vector.broadcast %min3A_480 : f32 to vector<16xf32>
          %min3A_482 = arith.minimumf %mul3A_479, %min3A_481 : vector<16xf32>
          %add3A_483 = arith.addf %add3A_478, %min3A_482 : vector<16xf32>
          %lt3A_484 = arith.constant 9.000000e-02 : f32
          %lt3A_485 = vector.broadcast %lt3A_484 : f32 to vector<16xf32>
          %lt3A_486 = arith.cmpf olt, %add3A_483, %lt3A_485 : vector<16xf32>
          %swap3A_487 = arith.index_cast %add3A_456 : i32 to index
          %swap3A_488 = tpu.vector_load %arg11[%swap3A_487] masked %lt3A_486 {strides = array<i32>} : memref<160xf32, #tpu.memory_space<vmem>>, vector<16xf32>, vector<16xi1>
          tpu.vector_store %arg11[%swap3A_487], %sub3A_463 masked %lt3A_486 {strides = array<i32>} : memref<160xf32, #tpu.memory_space<vmem>>, vector<16xf32>, vector<16xi1>
          %swap3A_489 = arith.index_cast %add3A_456 : i32 to index
          %swap3A_490 = tpu.vector_load %arg12[%swap3A_489] masked %lt3A_486 {strides = array<i32>} : memref<160xf32, #tpu.memory_space<vmem>>, vector<16xf32>, vector<16xi1>
          tpu.vector_store %arg12[%swap3A_489], %sub3A_466 masked %lt3A_486 {strides = array<i32>} : memref<160xf32, #tpu.memory_space<vmem>>, vector<16xf32>, vector<16xi1>
          %swap3A_491 = arith.index_cast %add3A_456 : i32 to index
          %swap3A_492 = tpu.vector_load %arg13[%swap3A_491] masked %lt3A_486 {strides = array<i32>} : memref<160xf32, #tpu.memory_space<vmem>>, vector<16xf32>, vector<16xi1>
          tpu.vector_store %arg13[%swap3A_491], %sub3A_469 masked %lt3A_486 {strides = array<i32>} : memref<160xf32, #tpu.memory_space<vmem>>, vector<16xf32>, vector<16xi1>
          %all_reduce_population_count3A_493 = tpu.all_reduce %lt3A_486 {dim = 0 : i64, kind = #tpu.reduction_kind<sum>} : vector<16xi1> -> vector<16xi32>
          %slice3A_494 = vector.extract_strided_slice %all_reduce_population_count3A_493 {offsets = [0], sizes = [1], strides = [1]} : vector<16xi32> to vector<1xi32>
          %squeeze3A_495 = vector.extract %slice3A_494[0] : i32 from vector<1xi32>
          %add3A_496 = arith.addi %add3A_456, %squeeze3A_495 : i32
          %add3A_497 = arith.constant 7 : i32
          %add3A_498 = arith.addi %while3A_221, %add3A_497 : i32
          %mul3A_499 = arith.constant 16 : i32
          %mul3A_500 = arith.muli %add3A_498, %mul3A_499 : i32
          %get3A_501 = arith.index_cast %mul3A_500 : i32 to index
          %get3A_502 = tpu.vector_load %arg5[%get3A_501] {strides = array<i32>} : memref<4096xf32, #tpu.memory_space<vmem>>, vector<16xf32>,
          %sub3A_503 = arith.subf %get3A_502, %gather3A : vector<16xf32>
          %get3A_504 = arith.index_cast %mul3A_500 : i32 to index
          %get3A_505 = tpu.vector_load %arg6[%get3A_504] {strides = array<i32>} : memref<4096xf32, #tpu.memory_space<vmem>>, vector<16xf32>,
          %sub3A_506 = arith.subf %get3A_505, %gather3A_156 : vector<16xf32>
          %get3A_507 = arith.index_cast %mul3A_500 : i32 to index
          %get3A_508 = tpu.vector_load %arg7[%get3A_507] {strides = array<i32>} : memref<4096xf32, #tpu.memory_space<vmem>>, vector<16xf32>,
          %sub3A_509 = arith.subf %get3A_508, %gather3A_157 : vector<16xf32>
          %mul3A_510 = arith.mulf %sub3A_503, %sub3A_503 : vector<16xf32>
          %min3A_511 = arith.constant 3.000000e+00 : f32
          %min3A_512 = vector.broadcast %min3A_511 : f32 to vector<16xf32>
          %min3A_513 = arith.minimumf %mul3A_510, %min3A_512 : vector<16xf32>
          %mul3A_514 = arith.mulf %sub3A_506, %sub3A_506 : vector<16xf32>
          %min3A_515 = arith.constant 3.000000e+00 : f32
          %min3A_516 = vector.broadcast %min3A_515 : f32 to vector<16xf32>
          %min3A_517 = arith.minimumf %mul3A_514, %min3A_516 : vector<16xf32>
          %add3A_518 = arith.addf %min3A_513, %min3A_517 : vector<16xf32>
          %mul3A_519 = arith.mulf %sub3A_509, %sub3A_509 : vector<16xf32>
          %min3A_520 = arith.constant 3.000000e+00 : f32
          %min3A_521 = vector.broadcast %min3A_520 : f32 to vector<16xf32>
          %min3A_522 = arith.minimumf %mul3A_519, %min3A_521 : vector<16xf32>
          %add3A_523 = arith.addf %add3A_518, %min3A_522 : vector<16xf32>
          %lt3A_524 = arith.constant 9.000000e-02 : f32
          %lt3A_525 = vector.broadcast %lt3A_524 : f32 to vector<16xf32>
          %lt3A_526 = arith.cmpf olt, %add3A_523, %lt3A_525 : vector<16xf32>
          %swap3A_527 = arith.index_cast %add3A_496 : i32 to index
          %swap3A_528 = tpu.vector_load %arg11[%swap3A_527] masked %lt3A_526 {strides = array<i32>} : memref<160xf32, #tpu.memory_space<vmem>>, vector<16xf32>, vector<16xi1>
          tpu.vector_store %arg11[%swap3A_527], %sub3A_503 masked %lt3A_526 {strides = array<i32>} : memref<160xf32, #tpu.memory_space<vmem>>, vector<16xf32>, vector<16xi1>
          %swap3A_529 = arith.index_cast %add3A_496 : i32 to index
          %swap3A_530 = tpu.vector_load %arg12[%swap3A_529] masked %lt3A_526 {strides = array<i32>} : memref<160xf32, #tpu.memory_space<vmem>>, vector<16xf32>, vector<16xi1>
          tpu.vector_store %arg12[%swap3A_529], %sub3A_506 masked %lt3A_526 {strides = array<i32>} : memref<160xf32, #tpu.memory_space<vmem>>, vector<16xf32>, vector<16xi1>
          %swap3A_531 = arith.index_cast %add3A_496 : i32 to index
          %swap3A_532 = tpu.vector_load %arg13[%swap3A_531] masked %lt3A_526 {strides = array<i32>} : memref<160xf32, #tpu.memory_space<vmem>>, vector<16xf32>, vector<16xi1>
          tpu.vector_store %arg13[%swap3A_531], %sub3A_509 masked %lt3A_526 {strides = array<i32>} : memref<160xf32, #tpu.memory_space<vmem>>, vector<16xf32>, vector<16xi1>
          %all_reduce_population_count3A_533 = tpu.all_reduce %lt3A_526 {dim = 0 : i64, kind = #tpu.reduction_kind<sum>} : vector<16xi1> -> vector<16xi32>
          %slice3A_534 = vector.extract_strided_slice %all_reduce_population_count3A_533 {offsets = [0], sizes = [1], strides = [1]} : vector<16xi32> to vector<1xi32>
          %squeeze3A_535 = vector.extract %slice3A_534[0] : i32 from vector<1xi32>
          %add3A_536 = arith.addi %add3A_496, %squeeze3A_535 : i32
          %add3A_537 = arith.constant 8 : i32
          %add3A_538 = arith.addi %while3A_221, %add3A_537 : i32
          scf.yield %add3A_536, %add3A_538 : i32, i32
        }
        %broadcast_in_dim3A_160 = arith.constant 0 : i32
        %broadcast_in_dim3A_161 = vector.broadcast %broadcast_in_dim3A_160 : i32 to vector<16xi32>
        %gt3A = arith.constant 0 : i32
        %gt3A_162 = arith.cmpi sgt, %while3A_159#0, %gt3A : i32
        %broadcast_in_dim3A_163 = vector.broadcast %gt3A_162 : i1 to vector<16xi1>
        %broadcast_in_dim3A_164 = vector.broadcast %while3A_159#0 : i32 to vector<16xi32>
        %gather3A_165 = tpu.vector_load_idx %arg11[%broadcast_in_dim3A_161] : memref<160xf32, #tpu.memory_space<vmem>>[vector<16xi32>], vector<16xf32>,
        %gather3A_166 = tpu.vector_load_idx %arg5[%broadcast_in_dim3A_161] : memref<4096xf32, #tpu.memory_space<vmem>>[vector<16xi32>], vector<16xf32>,
        %sub3A_167 = arith.subf %gather3A_166, %gather3A : vector<16xf32>
        %select_n3A_168 = arith.select %broadcast_in_dim3A_163, %gather3A_165, %sub3A_167 : vector<16xi1>, vector<16xf32>
        %gather3A_169 = tpu.vector_load_idx %arg12[%broadcast_in_dim3A_161] : memref<160xf32, #tpu.memory_space<vmem>>[vector<16xi32>], vector<16xf32>,
        %gather3A_170 = tpu.vector_load_idx %arg6[%broadcast_in_dim3A_161] : memref<4096xf32, #tpu.memory_space<vmem>>[vector<16xi32>], vector<16xf32>,
        %sub3A_171 = arith.subf %gather3A_170, %gather3A_156 : vector<16xf32>
        %select_n3A_172 = arith.select %broadcast_in_dim3A_163, %gather3A_169, %sub3A_171 : vector<16xi1>, vector<16xf32>
        %gather3A_173 = tpu.vector_load_idx %arg13[%broadcast_in_dim3A_161] : memref<160xf32, #tpu.memory_space<vmem>>[vector<16xi32>], vector<16xf32>,
        %gather3A_174 = tpu.vector_load_idx %arg7[%broadcast_in_dim3A_161] : memref<4096xf32, #tpu.memory_space<vmem>>[vector<16xi32>], vector<16xf32>,
        %sub3A_175 = arith.subf %gather3A_174, %gather3A_157 : vector<16xf32>
        %select_n3A_176 = arith.select %broadcast_in_dim3A_163, %gather3A_173, %sub3A_175 : vector<16xi1>, vector<16xf32>
        %add3A_177 = arith.constant 0 : i32
        %add3A_178 = vector.broadcast %add3A_177 : i32 to vector<16xi32>
        %add3A_179 = arith.addi %iota3A, %add3A_178 : vector<16xi32>
        %ge3A = arith.cmpi sge, %add3A_179, %broadcast_in_dim3A_164 : vector<16xi32>
        %get3A = arith.constant 0 : index
        %get3A_180 = tpu.vector_load %arg11[%get3A] {strides = array<i32>} : memref<160xf32, #tpu.memory_space<vmem>>, vector<16xf32>,
        %select_n3A_181 = arith.select %ge3A, %select_n3A_168, %get3A_180 : vector<16xi1>, vector<16xf32>
        %add3A_182 = arith.constant 0 : i32
        %add3A_183 = vector.broadcast %add3A_182 : i32 to vector<16xi32>
        %add3A_184 = arith.addi %add3A_179, %add3A_183 : vector<16xi32>
        tpu.vector_store_idx %arg14[%add3A_184, %broadcast_in_dim3A], %select_n3A_181 : memref<96x128xf32, #tpu.memory_space<vmem>>[vector<16xi32>, vector<16xi32>], vector<16xf32>,
        %get3A_185 = arith.constant 0 : index
        %get3A_186 = tpu.vector_load %arg12[%get3A_185] {strides = array<i32>} : memref<160xf32, #tpu.memory_space<vmem>>, vector<16xf32>,
        %select_n3A_187 = arith.select %ge3A, %select_n3A_172, %get3A_186 : vector<16xi1>, vector<16xf32>
        %add3A_188 = arith.constant 32 : i32
        %add3A_189 = vector.broadcast %add3A_188 : i32 to vector<16xi32>
        %add3A_190 = arith.addi %add3A_179, %add3A_189 : vector<16xi32>
        tpu.vector_store_idx %arg14[%add3A_190, %broadcast_in_dim3A], %select_n3A_187 : memref<96x128xf32, #tpu.memory_space<vmem>>[vector<16xi32>, vector<16xi32>], vector<16xf32>,
        %get3A_191 = arith.constant 0 : index
        %get3A_192 = tpu.vector_load %arg13[%get3A_191] {strides = array<i32>} : memref<160xf32, #tpu.memory_space<vmem>>, vector<16xf32>,
        %select_n3A_193 = arith.select %ge3A, %select_n3A_176, %get3A_192 : vector<16xi1>, vector<16xf32>
        %add3A_194 = arith.constant 64 : i32
        %add3A_195 = vector.broadcast %add3A_194 : i32 to vector<16xi32>
        %add3A_196 = arith.addi %add3A_179, %add3A_195 : vector<16xi32>
        tpu.vector_store_idx %arg14[%add3A_196, %broadcast_in_dim3A], %select_n3A_193 : memref<96x128xf32, #tpu.memory_space<vmem>>[vector<16xi32>, vector<16xi32>], vector<16xf32>,
        %add3A_197 = arith.constant 16 : i32
        %add3A_198 = vector.broadcast %add3A_197 : i32 to vector<16xi32>
        %add3A_199 = arith.addi %iota3A, %add3A_198 : vector<16xi32>
        %ge3A_200 = arith.cmpi sge, %add3A_199, %broadcast_in_dim3A_164 : vector<16xi32>
        %get3A_201 = arith.constant 16 : index
        %get3A_202 = tpu.vector_load %arg11[%get3A_201] {strides = array<i32>} : memref<160xf32, #tpu.memory_space<vmem>>, vector<16xf32>,
        %select_n3A_203 = arith.select %ge3A_200, %select_n3A_168, %get3A_202 : vector<16xi1>, vector<16xf32>
        %add3A_204 = arith.constant 0 : i32
        %add3A_205 = vector.broadcast %add3A_204 : i32 to vector<16xi32>
        %add3A_206 = arith.addi %add3A_199, %add3A_205 : vector<16xi32>
        tpu.vector_store_idx %arg14[%add3A_206, %broadcast_in_dim3A], %select_n3A_203 : memref<96x128xf32, #tpu.memory_space<vmem>>[vector<16xi32>, vector<16xi32>], vector<16xf32>,
        %get3A_207 = arith.constant 16 : index
        %get3A_208 = tpu.vector_load %arg12[%get3A_207] {strides = array<i32>} : memref<160xf32, #tpu.memory_space<vmem>>, vector<16xf32>,
        %select_n3A_209 = arith.select %ge3A_200, %select_n3A_172, %get3A_208 : vector<16xi1>, vector<16xf32>
        %add3A_210 = arith.constant 32 : i32
        %add3A_211 = vector.broadcast %add3A_210 : i32 to vector<16xi32>
        %add3A_212 = arith.addi %add3A_199, %add3A_211 : vector<16xi32>
        tpu.vector_store_idx %arg14[%add3A_212, %broadcast_in_dim3A], %select_n3A_209 : memref<96x128xf32, #tpu.memory_space<vmem>>[vector<16xi32>, vector<16xi32>], vector<16xf32>,
        %get3A_213 = arith.constant 16 : index
        %get3A_214 = tpu.vector_load %arg13[%get3A_213] {strides = array<i32>} : memref<160xf32, #tpu.memory_space<vmem>>, vector<16xf32>,
        %select_n3A_215 = arith.select %ge3A_200, %select_n3A_176, %get3A_214 : vector<16xi1>, vector<16xf32>
        %add3A_216 = arith.constant 64 : i32
        %add3A_217 = vector.broadcast %add3A_216 : i32 to vector<16xi32>
        %add3A_218 = arith.addi %add3A_199, %add3A_217 : vector<16xi32>
        tpu.vector_store_idx %arg14[%add3A_218, %broadcast_in_dim3A], %select_n3A_215 : memref<96x128xf32, #tpu.memory_space<vmem>>[vector<16xi32>, vector<16xi32>], vector<16xf32>,
        %scan3A_219 = arith.constant 0 : i32
        scf.yield %scan3A_219 : i32
      }
      %scan3A_148 = arith.constant 128 : i32
      %mul3A_149 = arith.constant 3 : i32
      %mul3A_150 = arith.muli %select_n3A, %mul3A_149 : i32
      %mul3A_151 = arith.constant 32 : i32
      %mul3A_152 = arith.muli %mul3A_150, %mul3A_151 : i32
      "tpu.region"() ({
        %run_scoped3A = tpu.sem_alloc : memref<!tpu.dma_semaphore, #tpu.memory_space<semaphore_mem>>
        %dma_start3A = tpu.memref_slice %arg4[%mul3A_152, %mul3A_43] : memref<1920x1024xf32, #tpu.memory_space<hbm>> -> memref<96x128xf32, #tpu.memory_space<hbm>>
        %dma_start3A_154 = tpu.memref_slice %arg4[%mul3A_152, %mul3A_43] : memref<1920x1024xf32, #tpu.memory_space<hbm>> -> memref<96x128xf32, #tpu.memory_space<hbm>>
        tpu.enqueue_dma source(%arg14 : memref<96x128xf32, #tpu.memory_space<vmem>>) target(%dma_start3A_154 : memref<96x128xf32, #tpu.memory_space<hbm>>) target_semaphore(%run_scoped3A : memref<!tpu.dma_semaphore, #tpu.memory_space<semaphore_mem>>)
        %dma_wait3A = tpu.memref_slice %arg4[%mul3A_152, %mul3A_43] : memref<1920x1024xf32, #tpu.memory_space<hbm>> -> memref<96x128xf32, #tpu.memory_space<hbm>>
        %dma_wait3A_155 = tpu.memref_slice %arg4[%mul3A_152, %mul3A_43] : memref<1920x1024xf32, #tpu.memory_space<hbm>> -> memref<96x128xf32, #tpu.memory_space<hbm>>
        tpu.wait_dma2 semaphore(%run_scoped3A : memref<!tpu.dma_semaphore, #tpu.memory_space<semaphore_mem>>) src(%arg14 : memref<96x128xf32, #tpu.memory_space<vmem>>) dst(%dma_wait3A_155 : memref<96x128xf32, #tpu.memory_space<hbm>>)
        tpu.yield
      }) : () -> ()
      %scan3A_153 = arith.constant 0 : i32
      scf.yield %scan3A_153 : i32
    }
    %scan3A_6 = arith.constant 5 : i32
    return
  }
}

#map = affine_map<(d0, d1) -> (0)>
module attributes {stable_mosaic.version = 14 : i64} {
  func.func @_fps_kernel(%arg0: i32, %arg1: i32, %arg2: memref<98304xf32, #tpu.memory_space<hbm>>, %arg3: memref<98304xf32, #tpu.memory_space<hbm>>, %arg4: memref<24576xf32, #tpu.memory_space<hbm>>, %arg5: memref<12288xf32, #tpu.memory_space<vmem>>, %arg6: memref<4096xf32, #tpu.memory_space<vmem>>, %arg7: memref<4096xf32, #tpu.memory_space<vmem>>, %arg8: memref<4096xf32, #tpu.memory_space<vmem>>, %arg9: memref<1024xf32, #tpu.memory_space<vmem>>, %arg10: memref<1024xi32, #tpu.memory_space<vmem>>, %arg11: memref<1024xf32, #tpu.memory_space<vmem>>, %arg12: memref<1024xf32, #tpu.memory_space<vmem>>, %arg13: memref<1024xf32, #tpu.memory_space<vmem>>, %arg14: memref<32xf32, #tpu.memory_space<vmem>>, %arg15: memref<512xf32, #tpu.memory_space<vmem>>, %arg16: memref<4096xf32, #tpu.memory_space<vmem_shared>>) attributes {dimension_semantics = [#tpu.dimension_semantics<core_parallel>, #tpu.dimension_semantics<subcore_parallel>], iteration_bounds = array<i64: 2, 16>, scalar_prefetch = 0 : i64, scratch_operands = 12 : i64, tpu.core_type = #tpu.core_type<sc_vector_subcore>, window_params = [{transform_indices = #map}, {transform_indices = #map}, {transform_indices = #map}]} {
    %jit3A = arith.constant 4 : i32
    %div3A = arith.divsi %arg1, %jit3A : i32
    %sign3A = arith.constant 0 : i32
    %sign3A_0 = arith.cmpi sgt, %arg1, %sign3A : i32
    %sign3A_1 = arith.extui %sign3A_0 : i1 to i32
    %sign3A_2 = arith.constant 0 : i32
    %sign3A_3 = arith.cmpi slt, %arg1, %sign3A_2 : i32
    %sign3A_4 = arith.extui %sign3A_3 : i1 to i32
    %sign3A_5 = arith.subi %sign3A_1, %sign3A_4 : i32
    %sign3A_6 = arith.constant 0 : i32
    %sign3A_7 = arith.cmpi sgt, %jit3A, %sign3A_6 : i32
    %sign3A_8 = arith.extui %sign3A_7 : i1 to i32
    %sign3A_9 = arith.constant 0 : i32
    %sign3A_10 = arith.cmpi slt, %jit3A, %sign3A_9 : i32
    %sign3A_11 = arith.extui %sign3A_10 : i1 to i32
    %sign3A_12 = arith.subi %sign3A_8, %sign3A_11 : i32
    %ne3A = arith.cmpi ne, %sign3A_5, %sign3A_12 : i32
    %rem3A = arith.remsi %arg1, %jit3A : i32
    %ne3A_13 = arith.constant 0 : i32
    %ne3A_14 = arith.cmpi ne, %rem3A, %ne3A_13 : i32
    %and3A = arith.andi %ne3A, %ne3A_14 : i1
    %sub3A = arith.constant 1 : i32
    %sub3A_15 = arith.subi %div3A, %sub3A : i32
    %select_n3A = arith.select %and3A, %sub3A_15, %div3A : i32
    %jit3A_16 = arith.constant 4 : i32
    %eq3A = arith.constant 0 : i32
    %eq3A_17 = arith.cmpi eq, %jit3A_16, %eq3A : i32
    %jit3A_18 = arith.constant 1 : i32
    %select_n3A_19 = arith.select %eq3A_17, %jit3A_18, %jit3A_16 : i32
    %rem3A_20 = arith.remsi %arg1, %select_n3A_19 : i32
    %ne3A_21 = arith.constant 0 : i32
    %ne3A_22 = arith.cmpi ne, %rem3A_20, %ne3A_21 : i32
    %lt3A = arith.constant 0 : i32
    %lt3A_23 = arith.cmpi slt, %rem3A_20, %lt3A : i32
    %lt3A_24 = arith.constant 0 : i32
    %lt3A_25 = arith.cmpi slt, %select_n3A_19, %lt3A_24 : i32
    %ne3A_26 = arith.xori %lt3A_23, %lt3A_25 : i1
    %and3A_27 = arith.andi %ne3A_26, %ne3A_22 : i1
    %add3A = arith.addi %rem3A_20, %select_n3A_19 : i32
    %select_n3A_28 = arith.select %and3A_27, %add3A, %rem3A_20 : i32
    %mul3A = arith.constant 4 : i32
    %mul3A_29 = arith.muli %arg0, %mul3A : i32
    %add3A_30 = arith.addi %mul3A_29, %select_n3A : i32
    %mul3A_31 = arith.constant 1024 : i32
    %mul3A_32 = arith.muli %select_n3A_28, %mul3A_31 : i32
    %iota3A = tpu.iota {dimensions = array<i32: 0>} : vector<16xi32>
    %mul3A_33 = arith.constant 3 : i32
    %mul3A_34 = arith.muli %add3A_30, %mul3A_33 : i32
    %mul3A_35 = arith.constant 4096 : i32
    %mul3A_36 = arith.muli %mul3A_34, %mul3A_35 : i32
    "tpu.region"() ({
      %run_scoped3A = tpu.sem_alloc : memref<!tpu.dma_semaphore, #tpu.memory_space<semaphore_mem>>
      %dma_start3A = tpu.memref_slice %arg2[%mul3A_36] : memref<98304xf32, #tpu.memory_space<hbm>> -> memref<12288xf32, #tpu.memory_space<hbm>>
      %dma_start3A_65 = tpu.memref_slice %arg2[%mul3A_36] : memref<98304xf32, #tpu.memory_space<hbm>> -> memref<12288xf32, #tpu.memory_space<hbm>>
      tpu.enqueue_dma source(%dma_start3A_65 : memref<12288xf32, #tpu.memory_space<hbm>>) target(%arg5 : memref<12288xf32, #tpu.memory_space<vmem>>) target_semaphore(%run_scoped3A : memref<!tpu.dma_semaphore, #tpu.memory_space<semaphore_mem>>)
      %dma_wait3A = tpu.memref_slice %arg2[%mul3A_36] : memref<98304xf32, #tpu.memory_space<hbm>> -> memref<12288xf32, #tpu.memory_space<hbm>>
      %dma_wait3A_66 = tpu.memref_slice %arg2[%mul3A_36] : memref<98304xf32, #tpu.memory_space<hbm>> -> memref<12288xf32, #tpu.memory_space<hbm>>
      tpu.wait_dma2 semaphore(%run_scoped3A : memref<!tpu.dma_semaphore, #tpu.memory_space<semaphore_mem>>) src(%dma_wait3A_66 : memref<12288xf32, #tpu.memory_space<hbm>>) dst(%arg5 : memref<12288xf32, #tpu.memory_space<vmem>>)
      tpu.yield
    }) : () -> ()
    %scan3A = arith.constant 0 : i32
    %scan3A_37 = arith.constant 0 : i32
    %scan3A_38 = arith.constant 256 : i32
    %scan3A_39 = arith.addi %scan3A_37, %scan3A_38 : i32
    %scan3A_40 = arith.constant 1 : i32
    %scan3A_41 = scf.for %scan3A_65 = %scan3A_37 to %scan3A_39 step %scan3A_40 iter_args(%scan3A_66 = %scan3A) -> (i32)  : i32 {
      %mul3A_67 = arith.constant 16 : i32
      %mul3A_68 = arith.muli %scan3A_65, %mul3A_67 : i32
      %add3A_69 = vector.broadcast %mul3A_68 : i32 to vector<16xi32>
      %add3A_70 = arith.addi %add3A_69, %iota3A : vector<16xi32>
      %mul3A_71 = arith.constant 3 : i32
      %mul3A_72 = vector.broadcast %mul3A_71 : i32 to vector<16xi32>
      %mul3A_73 = arith.muli %add3A_70, %mul3A_72 : vector<16xi32>
      %add3A_74 = arith.constant 0 : i32
      %add3A_75 = vector.broadcast %add3A_74 : i32 to vector<16xi32>
      %add3A_76 = arith.addi %mul3A_73, %add3A_75 : vector<16xi32>
      %gather3A = tpu.vector_load_idx %arg5[%add3A_76] : memref<12288xf32, #tpu.memory_space<vmem>>[vector<16xi32>], vector<16xf32>,
      %mul3A_77 = arith.constant 16 : i32
      %mul3A_78 = arith.muli %scan3A_65, %mul3A_77 : i32
      %swap3A = arith.index_cast %mul3A_78 : i32 to index
      %swap3A_79 = tpu.vector_load %arg6[%swap3A] {strides = array<i32>} : memref<4096xf32, #tpu.memory_space<vmem>>, vector<16xf32>,
      tpu.vector_store %arg6[%swap3A], %gather3A {strides = array<i32>} : memref<4096xf32, #tpu.memory_space<vmem>>, vector<16xf32>,
      %add3A_80 = arith.constant 1 : i32
      %add3A_81 = vector.broadcast %add3A_80 : i32 to vector<16xi32>
      %add3A_82 = arith.addi %mul3A_73, %add3A_81 : vector<16xi32>
      %gather3A_83 = tpu.vector_load_idx %arg5[%add3A_82] : memref<12288xf32, #tpu.memory_space<vmem>>[vector<16xi32>], vector<16xf32>,
      %mul3A_84 = arith.constant 16 : i32
      %mul3A_85 = arith.muli %scan3A_65, %mul3A_84 : i32
      %swap3A_86 = arith.index_cast %mul3A_85 : i32 to index
      %swap3A_87 = tpu.vector_load %arg7[%swap3A_86] {strides = array<i32>} : memref<4096xf32, #tpu.memory_space<vmem>>, vector<16xf32>,
      tpu.vector_store %arg7[%swap3A_86], %gather3A_83 {strides = array<i32>} : memref<4096xf32, #tpu.memory_space<vmem>>, vector<16xf32>,
      %add3A_88 = arith.constant 2 : i32
      %add3A_89 = vector.broadcast %add3A_88 : i32 to vector<16xi32>
      %add3A_90 = arith.addi %mul3A_73, %add3A_89 : vector<16xi32>
      %gather3A_91 = tpu.vector_load_idx %arg5[%add3A_90] : memref<12288xf32, #tpu.memory_space<vmem>>[vector<16xi32>], vector<16xf32>,
      %mul3A_92 = arith.constant 16 : i32
      %mul3A_93 = arith.muli %scan3A_65, %mul3A_92 : i32
      %swap3A_94 = arith.index_cast %mul3A_93 : i32 to index
      %swap3A_95 = tpu.vector_load %arg8[%swap3A_94] {strides = array<i32>} : memref<4096xf32, #tpu.memory_space<vmem>>, vector<16xf32>,
      tpu.vector_store %arg8[%swap3A_94], %gather3A_91 {strides = array<i32>} : memref<4096xf32, #tpu.memory_space<vmem>>, vector<16xf32>,
      %scan3A_96 = arith.constant 0 : i32
      scf.yield %scan3A_96 : i32
    }
    %scan3A_42 = arith.constant 256 : i32
    %scan3A_43 = arith.constant 0 : i32
    %scan3A_44 = arith.constant 0 : i32
    %scan3A_45 = arith.constant 64 : i32
    %scan3A_46 = arith.addi %scan3A_44, %scan3A_45 : i32
    %scan3A_47 = arith.constant 1 : i32
    %scan3A_48 = scf.for %scan3A_65 = %scan3A_44 to %scan3A_46 step %scan3A_47 iter_args(%scan3A_66 = %scan3A_43) -> (i32)  : i32 {
      %broadcast_in_dim3A = arith.constant 1.000000e+10 : f32
      %broadcast_in_dim3A_67 = vector.broadcast %broadcast_in_dim3A : f32 to vector<16xf32>
      %mul3A_68 = arith.constant 16 : i32
      %mul3A_69 = arith.muli %scan3A_65, %mul3A_68 : i32
      %swap3A = arith.index_cast %mul3A_69 : i32 to index
      %swap3A_70 = tpu.vector_load %arg9[%swap3A] {strides = array<i32>} : memref<1024xf32, #tpu.memory_space<vmem>>, vector<16xf32>,
      tpu.vector_store %arg9[%swap3A], %broadcast_in_dim3A_67 {strides = array<i32>} : memref<1024xf32, #tpu.memory_space<vmem>>, vector<16xf32>,
      %scan3A_71 = arith.constant 0 : i32
      scf.yield %scan3A_71 : i32
    }
    %scan3A_49 = arith.constant 64 : i32
    %eq3A_50 = arith.constant 0 : i32
    %eq3A_51 = vector.broadcast %eq3A_50 : i32 to vector<16xi32>
    %eq3A_52 = arith.cmpi eq, %iota3A, %eq3A_51 : vector<16xi32>
    %mul3A_53 = arith.constant 64 : i32
    %mul3A_54 = arith.muli %select_n3A_28, %mul3A_53 : i32
    %scan3A_55 = arith.constant 0 : i32
    %scan3A_56 = arith.constant 0 : i32
    %scan3A_57 = arith.constant 1024 : i32
    %scan3A_58 = arith.addi %scan3A_56, %scan3A_57 : i32
    %scan3A_59 = arith.constant 1 : i32
    %scan3A_60 = scf.for %scan3A_65 = %scan3A_56 to %scan3A_58 step %scan3A_59 iter_args(%scan3A_66 = %scan3A_55) -> (i32)  : i32 {
      %broadcast_in_dim3A = vector.broadcast %scan3A_66 : i32 to vector<16xi32>
      %broadcast_in_dim3A_67 = vector.broadcast %scan3A_65 : i32 to vector<16xi32>
      tpu.vector_store_idx %arg10[%broadcast_in_dim3A_67], %broadcast_in_dim3A masked %eq3A_52 : memref<1024xi32, #tpu.memory_space<vmem>>[vector<16xi32>], vector<16xi32>, vector<16xi1>
      %gather3A = tpu.vector_load_idx %arg6[%broadcast_in_dim3A] : memref<4096xf32, #tpu.memory_space<vmem>>[vector<16xi32>], vector<16xf32>,
      %gather3A_68 = tpu.vector_load_idx %arg7[%broadcast_in_dim3A] : memref<4096xf32, #tpu.memory_space<vmem>>[vector<16xi32>], vector<16xf32>,
      %gather3A_69 = tpu.vector_load_idx %arg8[%broadcast_in_dim3A] : memref<4096xf32, #tpu.memory_space<vmem>>[vector<16xi32>], vector<16xf32>,
      %broadcast_in_dim3A_70 = arith.constant -1.000000e+00 : f32
      %broadcast_in_dim3A_71 = vector.broadcast %broadcast_in_dim3A_70 : f32 to vector<16xf32>
      %broadcast_in_dim3A_72 = arith.constant 0 : i32
      %broadcast_in_dim3A_73 = vector.broadcast %broadcast_in_dim3A_72 : i32 to vector<16xi32>
      %scan3A_74 = arith.constant 0 : i32
      %scan3A_75 = arith.constant 64 : i32
      %scan3A_76 = arith.addi %scan3A_74, %scan3A_75 : i32
      %scan3A_77 = arith.constant 4 : i32
      %scan3A_78:2 = scf.for %scan3A_169 = %scan3A_74 to %scan3A_76 step %scan3A_77 iter_args(%scan3A_170 = %broadcast_in_dim3A_71, %scan3A_171 = %broadcast_in_dim3A_73) -> (vector<16xf32>, vector<16xi32>)  : i32 {
        %mul3A_172 = arith.constant 16 : i32
        %mul3A_173 = arith.muli %scan3A_169, %mul3A_172 : i32
        %add3A_174 = arith.addi %mul3A_32, %mul3A_173 : i32
        %get3A_175 = arith.index_cast %add3A_174 : i32 to index
        %get3A_176 = tpu.vector_load %arg6[%get3A_175] {strides = array<i32>} : memref<4096xf32, #tpu.memory_space<vmem>>, vector<16xf32>,
        %sub3A_177 = arith.subf %get3A_176, %gather3A : vector<16xf32>
        %get3A_178 = arith.index_cast %add3A_174 : i32 to index
        %get3A_179 = tpu.vector_load %arg7[%get3A_178] {strides = array<i32>} : memref<4096xf32, #tpu.memory_space<vmem>>, vector<16xf32>,
        %sub3A_180 = arith.subf %get3A_179, %gather3A_68 : vector<16xf32>
        %get3A_181 = arith.index_cast %add3A_174 : i32 to index
        %get3A_182 = tpu.vector_load %arg8[%get3A_181] {strides = array<i32>} : memref<4096xf32, #tpu.memory_space<vmem>>, vector<16xf32>,
        %sub3A_183 = arith.subf %get3A_182, %gather3A_69 : vector<16xf32>
        %mul3A_184 = arith.mulf %sub3A_177, %sub3A_177 : vector<16xf32>
        %min3A_185 = arith.constant 3.000000e+00 : f32
        %min3A_186 = vector.broadcast %min3A_185 : f32 to vector<16xf32>
        %min3A_187 = arith.minimumf %mul3A_184, %min3A_186 : vector<16xf32>
        %mul3A_188 = arith.mulf %sub3A_183, %sub3A_183 : vector<16xf32>
        %min3A_189 = arith.constant 3.000000e+00 : f32
        %min3A_190 = vector.broadcast %min3A_189 : f32 to vector<16xf32>
        %min3A_191 = arith.minimumf %mul3A_188, %min3A_190 : vector<16xf32>
        %add3A_192 = arith.addf %min3A_187, %min3A_191 : vector<16xf32>
        %mul3A_193 = arith.mulf %sub3A_180, %sub3A_180 : vector<16xf32>
        %min3A_194 = arith.constant 3.000000e+00 : f32
        %min3A_195 = vector.broadcast %min3A_194 : f32 to vector<16xf32>
        %min3A_196 = arith.minimumf %mul3A_193, %min3A_195 : vector<16xf32>
        %add3A_197 = arith.addf %add3A_192, %min3A_196 : vector<16xf32>
        %mul3A_198 = arith.constant 16 : i32
        %mul3A_199 = arith.muli %scan3A_169, %mul3A_198 : i32
        %get3A_200 = arith.index_cast %mul3A_199 : i32 to index
        %get3A_201 = tpu.vector_load %arg9[%get3A_200] {strides = array<i32>} : memref<1024xf32, #tpu.memory_space<vmem>>, vector<16xf32>,
        %min3A_202 = arith.minimumf %get3A_201, %add3A_197 : vector<16xf32>
        %mul3A_203 = arith.constant 16 : i32
        %mul3A_204 = arith.muli %scan3A_169, %mul3A_203 : i32
        %swap3A_205 = arith.index_cast %mul3A_204 : i32 to index
        %swap3A_206 = tpu.vector_load %arg9[%swap3A_205] {strides = array<i32>} : memref<1024xf32, #tpu.memory_space<vmem>>, vector<16xf32>,
        tpu.vector_store %arg9[%swap3A_205], %min3A_202 {strides = array<i32>} : memref<1024xf32, #tpu.memory_space<vmem>>, vector<16xf32>,
        %gt3A = arith.cmpf ogt, %min3A_202, %scan3A_170 : vector<16xf32>
        %select_n3A_207 = arith.select %gt3A, %min3A_202, %scan3A_170 : vector<16xi1>, vector<16xf32>
        %broadcast_in_dim3A_208 = vector.broadcast %scan3A_169 : i32 to vector<16xi32>
        %select_n3A_209 = arith.select %gt3A, %broadcast_in_dim3A_208, %scan3A_171 : vector<16xi1>, vector<16xi32>
        %scan3A_210 = arith.constant 1 : i32
        %scan3A_211 = arith.addi %scan3A_169, %scan3A_210 : i32
        %mul3A_212 = arith.constant 16 : i32
        %mul3A_213 = arith.muli %scan3A_211, %mul3A_212 : i32
        %add3A_214 = arith.addi %mul3A_32, %mul3A_213 : i32
        %get3A_215 = arith.index_cast %add3A_214 : i32 to index
        %get3A_216 = tpu.vector_load %arg6[%get3A_215] {strides = array<i32>} : memref<4096xf32, #tpu.memory_space<vmem>>, vector<16xf32>,
        %sub3A_217 = arith.subf %get3A_216, %gather3A : vector<16xf32>
        %get3A_218 = arith.index_cast %add3A_214 : i32 to index
        %get3A_219 = tpu.vector_load %arg7[%get3A_218] {strides = array<i32>} : memref<4096xf32, #tpu.memory_space<vmem>>, vector<16xf32>,
        %sub3A_220 = arith.subf %get3A_219, %gather3A_68 : vector<16xf32>
        %get3A_221 = arith.index_cast %add3A_214 : i32 to index
        %get3A_222 = tpu.vector_load %arg8[%get3A_221] {strides = array<i32>} : memref<4096xf32, #tpu.memory_space<vmem>>, vector<16xf32>,
        %sub3A_223 = arith.subf %get3A_222, %gather3A_69 : vector<16xf32>
        %mul3A_224 = arith.mulf %sub3A_217, %sub3A_217 : vector<16xf32>
        %min3A_225 = arith.constant 3.000000e+00 : f32
        %min3A_226 = vector.broadcast %min3A_225 : f32 to vector<16xf32>
        %min3A_227 = arith.minimumf %mul3A_224, %min3A_226 : vector<16xf32>
        %mul3A_228 = arith.mulf %sub3A_223, %sub3A_223 : vector<16xf32>
        %min3A_229 = arith.constant 3.000000e+00 : f32
        %min3A_230 = vector.broadcast %min3A_229 : f32 to vector<16xf32>
        %min3A_231 = arith.minimumf %mul3A_228, %min3A_230 : vector<16xf32>
        %add3A_232 = arith.addf %min3A_227, %min3A_231 : vector<16xf32>
        %mul3A_233 = arith.mulf %sub3A_220, %sub3A_220 : vector<16xf32>
        %min3A_234 = arith.constant 3.000000e+00 : f32
        %min3A_235 = vector.broadcast %min3A_234 : f32 to vector<16xf32>
        %min3A_236 = arith.minimumf %mul3A_233, %min3A_235 : vector<16xf32>
        %add3A_237 = arith.addf %add3A_232, %min3A_236 : vector<16xf32>
        %mul3A_238 = arith.constant 16 : i32
        %mul3A_239 = arith.muli %scan3A_211, %mul3A_238 : i32
        %get3A_240 = arith.index_cast %mul3A_239 : i32 to index
        %get3A_241 = tpu.vector_load %arg9[%get3A_240] {strides = array<i32>} : memref<1024xf32, #tpu.memory_space<vmem>>, vector<16xf32>,
        %min3A_242 = arith.minimumf %get3A_241, %add3A_237 : vector<16xf32>
        %mul3A_243 = arith.constant 16 : i32
        %mul3A_244 = arith.muli %scan3A_211, %mul3A_243 : i32
        %swap3A_245 = arith.index_cast %mul3A_244 : i32 to index
        %swap3A_246 = tpu.vector_load %arg9[%swap3A_245] {strides = array<i32>} : memref<1024xf32, #tpu.memory_space<vmem>>, vector<16xf32>,
        tpu.vector_store %arg9[%swap3A_245], %min3A_242 {strides = array<i32>} : memref<1024xf32, #tpu.memory_space<vmem>>, vector<16xf32>,
        %gt3A_247 = arith.cmpf ogt, %min3A_242, %select_n3A_207 : vector<16xf32>
        %select_n3A_248 = arith.select %gt3A_247, %min3A_242, %select_n3A_207 : vector<16xi1>, vector<16xf32>
        %broadcast_in_dim3A_249 = vector.broadcast %scan3A_211 : i32 to vector<16xi32>
        %select_n3A_250 = arith.select %gt3A_247, %broadcast_in_dim3A_249, %select_n3A_209 : vector<16xi1>, vector<16xi32>
        %scan3A_251 = arith.constant 2 : i32
        %scan3A_252 = arith.addi %scan3A_169, %scan3A_251 : i32
        %mul3A_253 = arith.constant 16 : i32
        %mul3A_254 = arith.muli %scan3A_252, %mul3A_253 : i32
        %add3A_255 = arith.addi %mul3A_32, %mul3A_254 : i32
        %get3A_256 = arith.index_cast %add3A_255 : i32 to index
        %get3A_257 = tpu.vector_load %arg6[%get3A_256] {strides = array<i32>} : memref<4096xf32, #tpu.memory_space<vmem>>, vector<16xf32>,
        %sub3A_258 = arith.subf %get3A_257, %gather3A : vector<16xf32>
        %get3A_259 = arith.index_cast %add3A_255 : i32 to index
        %get3A_260 = tpu.vector_load %arg7[%get3A_259] {strides = array<i32>} : memref<4096xf32, #tpu.memory_space<vmem>>, vector<16xf32>,
        %sub3A_261 = arith.subf %get3A_260, %gather3A_68 : vector<16xf32>
        %get3A_262 = arith.index_cast %add3A_255 : i32 to index
        %get3A_263 = tpu.vector_load %arg8[%get3A_262] {strides = array<i32>} : memref<4096xf32, #tpu.memory_space<vmem>>, vector<16xf32>,
        %sub3A_264 = arith.subf %get3A_263, %gather3A_69 : vector<16xf32>
        %mul3A_265 = arith.mulf %sub3A_258, %sub3A_258 : vector<16xf32>
        %min3A_266 = arith.constant 3.000000e+00 : f32
        %min3A_267 = vector.broadcast %min3A_266 : f32 to vector<16xf32>
        %min3A_268 = arith.minimumf %mul3A_265, %min3A_267 : vector<16xf32>
        %mul3A_269 = arith.mulf %sub3A_264, %sub3A_264 : vector<16xf32>
        %min3A_270 = arith.constant 3.000000e+00 : f32
        %min3A_271 = vector.broadcast %min3A_270 : f32 to vector<16xf32>
        %min3A_272 = arith.minimumf %mul3A_269, %min3A_271 : vector<16xf32>
        %add3A_273 = arith.addf %min3A_268, %min3A_272 : vector<16xf32>
        %mul3A_274 = arith.mulf %sub3A_261, %sub3A_261 : vector<16xf32>
        %min3A_275 = arith.constant 3.000000e+00 : f32
        %min3A_276 = vector.broadcast %min3A_275 : f32 to vector<16xf32>
        %min3A_277 = arith.minimumf %mul3A_274, %min3A_276 : vector<16xf32>
        %add3A_278 = arith.addf %add3A_273, %min3A_277 : vector<16xf32>
        %mul3A_279 = arith.constant 16 : i32
        %mul3A_280 = arith.muli %scan3A_252, %mul3A_279 : i32
        %get3A_281 = arith.index_cast %mul3A_280 : i32 to index
        %get3A_282 = tpu.vector_load %arg9[%get3A_281] {strides = array<i32>} : memref<1024xf32, #tpu.memory_space<vmem>>, vector<16xf32>,
        %min3A_283 = arith.minimumf %get3A_282, %add3A_278 : vector<16xf32>
        %mul3A_284 = arith.constant 16 : i32
        %mul3A_285 = arith.muli %scan3A_252, %mul3A_284 : i32
        %swap3A_286 = arith.index_cast %mul3A_285 : i32 to index
        %swap3A_287 = tpu.vector_load %arg9[%swap3A_286] {strides = array<i32>} : memref<1024xf32, #tpu.memory_space<vmem>>, vector<16xf32>,
        tpu.vector_store %arg9[%swap3A_286], %min3A_283 {strides = array<i32>} : memref<1024xf32, #tpu.memory_space<vmem>>, vector<16xf32>,
        %gt3A_288 = arith.cmpf ogt, %min3A_283, %select_n3A_248 : vector<16xf32>
        %select_n3A_289 = arith.select %gt3A_288, %min3A_283, %select_n3A_248 : vector<16xi1>, vector<16xf32>
        %broadcast_in_dim3A_290 = vector.broadcast %scan3A_252 : i32 to vector<16xi32>
        %select_n3A_291 = arith.select %gt3A_288, %broadcast_in_dim3A_290, %select_n3A_250 : vector<16xi1>, vector<16xi32>
        %scan3A_292 = arith.constant 3 : i32
        %scan3A_293 = arith.addi %scan3A_169, %scan3A_292 : i32
        %mul3A_294 = arith.constant 16 : i32
        %mul3A_295 = arith.muli %scan3A_293, %mul3A_294 : i32
        %add3A_296 = arith.addi %mul3A_32, %mul3A_295 : i32
        %get3A_297 = arith.index_cast %add3A_296 : i32 to index
        %get3A_298 = tpu.vector_load %arg6[%get3A_297] {strides = array<i32>} : memref<4096xf32, #tpu.memory_space<vmem>>, vector<16xf32>,
        %sub3A_299 = arith.subf %get3A_298, %gather3A : vector<16xf32>
        %get3A_300 = arith.index_cast %add3A_296 : i32 to index
        %get3A_301 = tpu.vector_load %arg7[%get3A_300] {strides = array<i32>} : memref<4096xf32, #tpu.memory_space<vmem>>, vector<16xf32>,
        %sub3A_302 = arith.subf %get3A_301, %gather3A_68 : vector<16xf32>
        %get3A_303 = arith.index_cast %add3A_296 : i32 to index
        %get3A_304 = tpu.vector_load %arg8[%get3A_303] {strides = array<i32>} : memref<4096xf32, #tpu.memory_space<vmem>>, vector<16xf32>,
        %sub3A_305 = arith.subf %get3A_304, %gather3A_69 : vector<16xf32>
        %mul3A_306 = arith.mulf %sub3A_299, %sub3A_299 : vector<16xf32>
        %min3A_307 = arith.constant 3.000000e+00 : f32
        %min3A_308 = vector.broadcast %min3A_307 : f32 to vector<16xf32>
        %min3A_309 = arith.minimumf %mul3A_306, %min3A_308 : vector<16xf32>
        %mul3A_310 = arith.mulf %sub3A_305, %sub3A_305 : vector<16xf32>
        %min3A_311 = arith.constant 3.000000e+00 : f32
        %min3A_312 = vector.broadcast %min3A_311 : f32 to vector<16xf32>
        %min3A_313 = arith.minimumf %mul3A_310, %min3A_312 : vector<16xf32>
        %add3A_314 = arith.addf %min3A_309, %min3A_313 : vector<16xf32>
        %mul3A_315 = arith.mulf %sub3A_302, %sub3A_302 : vector<16xf32>
        %min3A_316 = arith.constant 3.000000e+00 : f32
        %min3A_317 = vector.broadcast %min3A_316 : f32 to vector<16xf32>
        %min3A_318 = arith.minimumf %mul3A_315, %min3A_317 : vector<16xf32>
        %add3A_319 = arith.addf %add3A_314, %min3A_318 : vector<16xf32>
        %mul3A_320 = arith.constant 16 : i32
        %mul3A_321 = arith.muli %scan3A_293, %mul3A_320 : i32
        %get3A_322 = arith.index_cast %mul3A_321 : i32 to index
        %get3A_323 = tpu.vector_load %arg9[%get3A_322] {strides = array<i32>} : memref<1024xf32, #tpu.memory_space<vmem>>, vector<16xf32>,
        %min3A_324 = arith.minimumf %get3A_323, %add3A_319 : vector<16xf32>
        %mul3A_325 = arith.constant 16 : i32
        %mul3A_326 = arith.muli %scan3A_293, %mul3A_325 : i32
        %swap3A_327 = arith.index_cast %mul3A_326 : i32 to index
        %swap3A_328 = tpu.vector_load %arg9[%swap3A_327] {strides = array<i32>} : memref<1024xf32, #tpu.memory_space<vmem>>, vector<16xf32>,
        tpu.vector_store %arg9[%swap3A_327], %min3A_324 {strides = array<i32>} : memref<1024xf32, #tpu.memory_space<vmem>>, vector<16xf32>,
        %gt3A_329 = arith.cmpf ogt, %min3A_324, %select_n3A_289 : vector<16xf32>
        %select_n3A_330 = arith.select %gt3A_329, %min3A_324, %select_n3A_289 : vector<16xi1>, vector<16xf32>
        %broadcast_in_dim3A_331 = vector.broadcast %scan3A_293 : i32 to vector<16xi32>
        %select_n3A_332 = arith.select %gt3A_329, %broadcast_in_dim3A_331, %select_n3A_291 : vector<16xi1>, vector<16xi32>
        scf.yield %select_n3A_330, %select_n3A_332 : vector<16xf32>, vector<16xi32>
      }
      %scan3A_79 = arith.constant 64 : i32
      %add3A_80 = vector.broadcast %mul3A_54 : i32 to vector<16xi32>
      %add3A_81 = arith.addi %scan3A_78#1, %add3A_80 : vector<16xi32>
      %mul3A_82 = arith.constant 16 : i32
      %mul3A_83 = vector.broadcast %mul3A_82 : i32 to vector<16xi32>
      %mul3A_84 = arith.muli %add3A_81, %mul3A_83 : vector<16xi32>
      %add3A_85 = arith.addi %mul3A_84, %iota3A : vector<16xi32>
      %swap3A = arith.constant 0 : index
      %swap3A_86 = tpu.vector_load %arg14[%swap3A] {strides = array<i32>} : memref<32xf32, #tpu.memory_space<vmem>>, vector<16xf32>,
      tpu.vector_store %arg14[%swap3A], %scan3A_78#0 {strides = array<i32>} : memref<32xf32, #tpu.memory_space<vmem>>, vector<16xf32>,
      %bitcast3A = vector.bitcast %add3A_85 : vector<16xi32> to vector<16xf32>
      %swap3A_87 = arith.constant 16 : index
      %swap3A_88 = tpu.vector_load %arg14[%swap3A_87] {strides = array<i32>} : memref<32xf32, #tpu.memory_space<vmem>>, vector<16xf32>,
      tpu.vector_store %arg14[%swap3A_87], %bitcast3A {strides = array<i32>} : memref<32xf32, #tpu.memory_space<vmem>>, vector<16xf32>,
      %jit3A_89 = arith.constant 2 : i32
      %eq3A_90 = arith.constant 0 : i32
      %eq3A_91 = arith.cmpi eq, %jit3A_89, %eq3A_90 : i32
      %jit3A_92 = arith.constant 1 : i32
      %select_n3A_93 = arith.select %eq3A_91, %jit3A_92, %jit3A_89 : i32
      %rem3A_94 = arith.remsi %scan3A_65, %select_n3A_93 : i32
      %ne3A_95 = arith.constant 0 : i32
      %ne3A_96 = arith.cmpi ne, %rem3A_94, %ne3A_95 : i32
      %lt3A_97 = arith.constant 0 : i32
      %lt3A_98 = arith.cmpi slt, %rem3A_94, %lt3A_97 : i32
      %lt3A_99 = arith.constant 0 : i32
      %lt3A_100 = arith.cmpi slt, %select_n3A_93, %lt3A_99 : i32
      %ne3A_101 = arith.xori %lt3A_98, %lt3A_100 : i1
      %and3A_102 = arith.andi %ne3A_101, %ne3A_96 : i1
      %add3A_103 = arith.addi %rem3A_94, %select_n3A_93 : i32
      %select_n3A_104 = arith.select %and3A_102, %add3A_103, %rem3A_94 : i32
      %mul3A_105 = arith.constant 2048 : i32
      %mul3A_106 = arith.muli %select_n3A_104, %mul3A_105 : i32
      %mul3A_107 = arith.constant 512 : i32
      %mul3A_108 = arith.muli %select_n3A, %mul3A_107 : i32
      %add3A_109 = arith.addi %mul3A_106, %mul3A_108 : i32
      %mul3A_110 = arith.constant 32 : i32
      %mul3A_111 = arith.muli %select_n3A_28, %mul3A_110 : i32
      %add3A_112 = arith.addi %add3A_109, %mul3A_111 : i32
      "tpu.region"() ({
        %run_scoped3A = tpu.sem_alloc : memref<!tpu.dma_semaphore, #tpu.memory_space<semaphore_mem>>
        %dma_start3A = tpu.memref_slice %arg16[%add3A_112] : memref<4096xf32, #tpu.memory_space<vmem_shared>> -> memref<32xf32, #tpu.memory_space<vmem_shared>>
        %dma_start3A_169 = tpu.memref_slice %arg16[%add3A_112] : memref<4096xf32, #tpu.memory_space<vmem_shared>> -> memref<32xf32, #tpu.memory_space<vmem_shared>>
        tpu.enqueue_dma source(%arg14 : memref<32xf32, #tpu.memory_space<vmem>>) target(%dma_start3A_169 : memref<32xf32, #tpu.memory_space<vmem_shared>>) target_semaphore(%run_scoped3A : memref<!tpu.dma_semaphore, #tpu.memory_space<semaphore_mem>>)
        %dma_wait3A = tpu.memref_slice %arg16[%add3A_112] : memref<4096xf32, #tpu.memory_space<vmem_shared>> -> memref<32xf32, #tpu.memory_space<vmem_shared>>
        %dma_wait3A_170 = tpu.memref_slice %arg16[%add3A_112] : memref<4096xf32, #tpu.memory_space<vmem_shared>> -> memref<32xf32, #tpu.memory_space<vmem_shared>>
        tpu.wait_dma2 semaphore(%run_scoped3A : memref<!tpu.dma_semaphore, #tpu.memory_space<semaphore_mem>>) src(%arg14 : memref<32xf32, #tpu.memory_space<vmem>>) dst(%dma_wait3A_170 : memref<32xf32, #tpu.memory_space<vmem_shared>>)
        tpu.yield
      }) : () -> ()
      %barrier3A = arith.constant 0 : index
      tpu.barrier barrier_id(%barrier3A)
      %mul3A_113 = arith.constant 512 : i32
      %mul3A_114 = arith.muli %select_n3A, %mul3A_113 : i32
      %add3A_115 = arith.addi %mul3A_106, %mul3A_114 : i32
      "tpu.region"() ({
        %run_scoped3A = tpu.sem_alloc : memref<!tpu.dma_semaphore, #tpu.memory_space<semaphore_mem>>
        %dma_start3A = arith.constant 0 : i32
        %dma_start3A_169 = tpu.memref_slice %arg15[%dma_start3A] : memref<512xf32, #tpu.memory_space<vmem>> -> memref<128xf32, #tpu.memory_space<vmem>>
        %dma_start3A_170 = tpu.memref_slice %arg16[%add3A_115] : memref<4096xf32, #tpu.memory_space<vmem_shared>> -> memref<128xf32, #tpu.memory_space<vmem_shared>>
        %dma_start3A_171 = arith.constant 0 : i32
        %dma_start3A_172 = tpu.memref_slice %arg15[%dma_start3A_171] : memref<512xf32, #tpu.memory_space<vmem>> -> memref<128xf32, #tpu.memory_space<vmem>>
        %dma_start3A_173 = tpu.memref_slice %arg16[%add3A_115] : memref<4096xf32, #tpu.memory_space<vmem_shared>> -> memref<128xf32, #tpu.memory_space<vmem_shared>>
        tpu.enqueue_dma source(%dma_start3A_173 : memref<128xf32, #tpu.memory_space<vmem_shared>>) target(%dma_start3A_172 : memref<128xf32, #tpu.memory_space<vmem>>) target_semaphore(%run_scoped3A : memref<!tpu.dma_semaphore, #tpu.memory_space<semaphore_mem>>)
        %dma_wait3A = arith.constant 0 : i32
        %dma_wait3A_174 = tpu.memref_slice %arg15[%dma_wait3A] : memref<512xf32, #tpu.memory_space<vmem>> -> memref<128xf32, #tpu.memory_space<vmem>>
        %dma_wait3A_175 = tpu.memref_slice %arg16[%add3A_115] : memref<4096xf32, #tpu.memory_space<vmem_shared>> -> memref<128xf32, #tpu.memory_space<vmem_shared>>
        %dma_wait3A_176 = arith.constant 0 : i32
        %dma_wait3A_177 = tpu.memref_slice %arg15[%dma_wait3A_176] : memref<512xf32, #tpu.memory_space<vmem>> -> memref<128xf32, #tpu.memory_space<vmem>>
        %dma_wait3A_178 = tpu.memref_slice %arg16[%add3A_115] : memref<4096xf32, #tpu.memory_space<vmem_shared>> -> memref<128xf32, #tpu.memory_space<vmem_shared>>
        tpu.wait_dma2 semaphore(%run_scoped3A : memref<!tpu.dma_semaphore, #tpu.memory_space<semaphore_mem>>) src(%dma_wait3A_178 : memref<128xf32, #tpu.memory_space<vmem_shared>>) dst(%dma_wait3A_177 : memref<128xf32, #tpu.memory_space<vmem>>)
        tpu.yield
      }) : () -> ()
      %get3A = arith.constant 0 : index
      %get3A_116 = tpu.vector_load %arg15[%get3A] {strides = array<i32>} : memref<512xf32, #tpu.memory_space<vmem>>, vector<16xf32>,
      %get3A_117 = arith.constant 32 : index
      %get3A_118 = tpu.vector_load %arg15[%get3A_117] {strides = array<i32>} : memref<512xf32, #tpu.memory_space<vmem>>, vector<16xf32>,
      %get3A_119 = arith.constant 64 : index
      %get3A_120 = tpu.vector_load %arg15[%get3A_119] {strides = array<i32>} : memref<512xf32, #tpu.memory_space<vmem>>, vector<16xf32>,
      %get3A_121 = arith.constant 96 : index
      %get3A_122 = tpu.vector_load %arg15[%get3A_121] {strides = array<i32>} : memref<512xf32, #tpu.memory_space<vmem>>, vector<16xf32>,
      %get3A_123 = arith.constant 16 : index
      %get3A_124 = tpu.vector_load %arg15[%get3A_123] {strides = array<i32>} : memref<512xf32, #tpu.memory_space<vmem>>, vector<16xf32>,
      %bitcast3A_125 = vector.bitcast %get3A_124 : vector<16xf32> to vector<16xi32>
      %get3A_126 = arith.constant 48 : index
      %get3A_127 = tpu.vector_load %arg15[%get3A_126] {strides = array<i32>} : memref<512xf32, #tpu.memory_space<vmem>>, vector<16xf32>,
      %bitcast3A_128 = vector.bitcast %get3A_127 : vector<16xf32> to vector<16xi32>
      %get3A_129 = arith.constant 80 : index
      %get3A_130 = tpu.vector_load %arg15[%get3A_129] {strides = array<i32>} : memref<512xf32, #tpu.memory_space<vmem>>, vector<16xf32>,
      %bitcast3A_131 = vector.bitcast %get3A_130 : vector<16xf32> to vector<16xi32>
      %get3A_132 = arith.constant 112 : index
      %get3A_133 = tpu.vector_load %arg15[%get3A_132] {strides = array<i32>} : memref<512xf32, #tpu.memory_space<vmem>>, vector<16xf32>,
      %bitcast3A_134 = vector.bitcast %get3A_133 : vector<16xf32> to vector<16xi32>
      %max3A = arith.maximumf %get3A_116, %get3A_118 : vector<16xf32>
      %max3A_135 = arith.maximumf %get3A_120, %get3A_122 : vector<16xf32>
      %max3A_136 = arith.maximumf %max3A, %max3A_135 : vector<16xf32>
      %reduce_max3A = arith.constant true
      %reduce_max3A_137 = vector.broadcast %reduce_max3A : i1 to vector<16xi1>
      %reduce_max3A_138 = tpu.scan <max>, %max3A_136 masked %reduce_max3A_137 : vector<16xf32>, vector<16xi1> -> vector<16xf32>
      %reduce_max3A_139 = vector.extract %reduce_max3A_138[15] : f32 from vector<16xf32>
      %eq3A_140 = vector.broadcast %reduce_max3A_139 : f32 to vector<16xf32>
      %eq3A_141 = arith.cmpf oeq, %get3A_116, %eq3A_140 : vector<16xf32>
      %jit3A_142 = arith.constant 1073741824 : i32
      %broadcast_in_dim3A_143 = vector.broadcast %jit3A_142 : i32 to vector<16xi32>
      %select_n3A_144 = arith.select %eq3A_141, %bitcast3A_125, %broadcast_in_dim3A_143 : vector<16xi1>, vector<16xi32>
      %eq3A_145 = vector.broadcast %reduce_max3A_139 : f32 to vector<16xf32>
      %eq3A_146 = arith.cmpf oeq, %get3A_118, %eq3A_145 : vector<16xf32>
      %jit3A_147 = arith.constant 1073741824 : i32
      %broadcast_in_dim3A_148 = vector.broadcast %jit3A_147 : i32 to vector<16xi32>
      %select_n3A_149 = arith.select %eq3A_146, %bitcast3A_128, %broadcast_in_dim3A_148 : vector<16xi1>, vector<16xi32>
      %eq3A_150 = vector.broadcast %reduce_max3A_139 : f32 to vector<16xf32>
      %eq3A_151 = arith.cmpf oeq, %get3A_120, %eq3A_150 : vector<16xf32>
      %jit3A_152 = arith.constant 1073741824 : i32
      %broadcast_in_dim3A_153 = vector.broadcast %jit3A_152 : i32 to vector<16xi32>
      %select_n3A_154 = arith.select %eq3A_151, %bitcast3A_131, %broadcast_in_dim3A_153 : vector<16xi1>, vector<16xi32>
      %eq3A_155 = vector.broadcast %reduce_max3A_139 : f32 to vector<16xf32>
      %eq3A_156 = arith.cmpf oeq, %get3A_122, %eq3A_155 : vector<16xf32>
      %jit3A_157 = arith.constant 1073741824 : i32
      %broadcast_in_dim3A_158 = vector.broadcast %jit3A_157 : i32 to vector<16xi32>
      %select_n3A_159 = arith.select %eq3A_156, %bitcast3A_134, %broadcast_in_dim3A_158 : vector<16xi1>, vector<16xi32>
      %min3A = arith.minsi %select_n3A_144, %select_n3A_149 : vector<16xi32>
      %min3A_160 = arith.minsi %select_n3A_154, %select_n3A_159 : vector<16xi32>
      %min3A_161 = arith.minsi %min3A, %min3A_160 : vector<16xi32>
      %reduce_min3A = arith.constant true
      %reduce_min3A_162 = vector.broadcast %reduce_min3A : i1 to vector<16xi1>
      %reduce_min3A_163 = arith.constant -2147483648 : i32
      %reduce_min3A_164 = vector.broadcast %reduce_min3A_163 : i32 to vector<16xi32>
      %reduce_min3A_165 = arith.xori %min3A_161, %reduce_min3A_164 : vector<16xi32>
      %reduce_min3A_166 = tpu.scan <min>, %reduce_min3A_165 masked %reduce_min3A_162 : vector<16xi32>, vector<16xi1> -> vector<16xi32>
      %reduce_min3A_167 = arith.xori %reduce_min3A_166, %reduce_min3A_164 : vector<16xi32>
      %reduce_min3A_168 = vector.extract %reduce_min3A_167[15] : i32 from vector<16xi32>
      scf.yield %reduce_min3A_168 : i32
    }
    %scan3A_61 = arith.constant 1024 : i32
    %eq3A_62 = arith.constant 0 : i32
    %eq3A_63 = arith.cmpi eq, %select_n3A_28, %eq3A_62 : i32
    %convert_element_type3A = arith.extui %eq3A_63 : i1 to i32
    %cond3A = arith.constant 0 : i32
    %cond3A_64 = arith.cmpi ne, %convert_element_type3A, %cond3A : i32
    scf.if %cond3A_64 {
      %scan3A_65 = arith.constant 0 : i32
      %scan3A_66 = arith.constant 0 : i32
      %scan3A_67 = arith.constant 64 : i32
      %scan3A_68 = arith.addi %scan3A_66, %scan3A_67 : i32
      %scan3A_69 = arith.constant 1 : i32
      %scan3A_70 = scf.for %scan3A_96 = %scan3A_66 to %scan3A_68 step %scan3A_69 iter_args(%scan3A_97 = %scan3A_65) -> (i32)  : i32 {
        %mul3A_98 = arith.constant 16 : i32
        %mul3A_99 = arith.muli %scan3A_96, %mul3A_98 : i32
        %get3A = arith.index_cast %mul3A_99 : i32 to index
        %get3A_100 = tpu.vector_load %arg10[%get3A] {strides = array<i32>} : memref<1024xi32, #tpu.memory_space<vmem>>, vector<16xi32>,
        %gather3A = tpu.vector_load_idx %arg6[%get3A_100] : memref<4096xf32, #tpu.memory_space<vmem>>[vector<16xi32>], vector<16xf32>,
        %swap3A = arith.index_cast %mul3A_99 : i32 to index
        %swap3A_101 = tpu.vector_load %arg11[%swap3A] {strides = array<i32>} : memref<1024xf32, #tpu.memory_space<vmem>>, vector<16xf32>,
        tpu.vector_store %arg11[%swap3A], %gather3A {strides = array<i32>} : memref<1024xf32, #tpu.memory_space<vmem>>, vector<16xf32>,
        %gather3A_102 = tpu.vector_load_idx %arg7[%get3A_100] : memref<4096xf32, #tpu.memory_space<vmem>>[vector<16xi32>], vector<16xf32>,
        %swap3A_103 = arith.index_cast %mul3A_99 : i32 to index
        %swap3A_104 = tpu.vector_load %arg12[%swap3A_103] {strides = array<i32>} : memref<1024xf32, #tpu.memory_space<vmem>>, vector<16xf32>,
        tpu.vector_store %arg12[%swap3A_103], %gather3A_102 {strides = array<i32>} : memref<1024xf32, #tpu.memory_space<vmem>>, vector<16xf32>,
        %gather3A_105 = tpu.vector_load_idx %arg8[%get3A_100] : memref<4096xf32, #tpu.memory_space<vmem>>[vector<16xi32>], vector<16xf32>,
        %swap3A_106 = arith.index_cast %mul3A_99 : i32 to index
        %swap3A_107 = tpu.vector_load %arg13[%swap3A_106] {strides = array<i32>} : memref<1024xf32, #tpu.memory_space<vmem>>, vector<16xf32>,
        tpu.vector_store %arg13[%swap3A_106], %gather3A_105 {strides = array<i32>} : memref<1024xf32, #tpu.memory_space<vmem>>, vector<16xf32>,
        %scan3A_108 = arith.constant 0 : i32
        scf.yield %scan3A_108 : i32
      }
      %scan3A_71 = arith.constant 64 : i32
      %mul3A_72 = arith.constant 4096 : i32
      %mul3A_73 = arith.muli %add3A_30, %mul3A_72 : i32
      %add3A_74 = arith.constant 0 : i32
      %add3A_75 = arith.addi %add3A_74, %mul3A_73 : i32
      "tpu.region"() ({
        %run_scoped3A = tpu.sem_alloc : memref<!tpu.dma_semaphore, #tpu.memory_space<semaphore_mem>>
        %dma_start3A = tpu.memref_slice %arg3[%add3A_75] : memref<98304xf32, #tpu.memory_space<hbm>> -> memref<4096xf32, #tpu.memory_space<hbm>>
        %dma_start3A_96 = tpu.memref_slice %arg3[%add3A_75] : memref<98304xf32, #tpu.memory_space<hbm>> -> memref<4096xf32, #tpu.memory_space<hbm>>
        tpu.enqueue_dma source(%arg6 : memref<4096xf32, #tpu.memory_space<vmem>>) target(%dma_start3A_96 : memref<4096xf32, #tpu.memory_space<hbm>>) target_semaphore(%run_scoped3A : memref<!tpu.dma_semaphore, #tpu.memory_space<semaphore_mem>>)
        %dma_wait3A = tpu.memref_slice %arg3[%add3A_75] : memref<98304xf32, #tpu.memory_space<hbm>> -> memref<4096xf32, #tpu.memory_space<hbm>>
        %dma_wait3A_97 = tpu.memref_slice %arg3[%add3A_75] : memref<98304xf32, #tpu.memory_space<hbm>> -> memref<4096xf32, #tpu.memory_space<hbm>>
        tpu.wait_dma2 semaphore(%run_scoped3A : memref<!tpu.dma_semaphore, #tpu.memory_space<semaphore_mem>>) src(%arg6 : memref<4096xf32, #tpu.memory_space<vmem>>) dst(%dma_wait3A_97 : memref<4096xf32, #tpu.memory_space<hbm>>)
        tpu.yield
      }) : () -> ()
      %mul3A_76 = arith.constant 1024 : i32
      %mul3A_77 = arith.muli %add3A_30, %mul3A_76 : i32
      %add3A_78 = arith.constant 0 : i32
      %add3A_79 = arith.addi %add3A_78, %mul3A_77 : i32
      "tpu.region"() ({
        %run_scoped3A = tpu.sem_alloc : memref<!tpu.dma_semaphore, #tpu.memory_space<semaphore_mem>>
        %dma_start3A = tpu.memref_slice %arg4[%add3A_79] : memref<24576xf32, #tpu.memory_space<hbm>> -> memref<1024xf32, #tpu.memory_space<hbm>>
        %dma_start3A_96 = tpu.memref_slice %arg4[%add3A_79] : memref<24576xf32, #tpu.memory_space<hbm>> -> memref<1024xf32, #tpu.memory_space<hbm>>
        tpu.enqueue_dma source(%arg11 : memref<1024xf32, #tpu.memory_space<vmem>>) target(%dma_start3A_96 : memref<1024xf32, #tpu.memory_space<hbm>>) target_semaphore(%run_scoped3A : memref<!tpu.dma_semaphore, #tpu.memory_space<semaphore_mem>>)
        %dma_wait3A = tpu.memref_slice %arg4[%add3A_79] : memref<24576xf32, #tpu.memory_space<hbm>> -> memref<1024xf32, #tpu.memory_space<hbm>>
        %dma_wait3A_97 = tpu.memref_slice %arg4[%add3A_79] : memref<24576xf32, #tpu.memory_space<hbm>> -> memref<1024xf32, #tpu.memory_space<hbm>>
        tpu.wait_dma2 semaphore(%run_scoped3A : memref<!tpu.dma_semaphore, #tpu.memory_space<semaphore_mem>>) src(%arg11 : memref<1024xf32, #tpu.memory_space<vmem>>) dst(%dma_wait3A_97 : memref<1024xf32, #tpu.memory_space<hbm>>)
        tpu.yield
      }) : () -> ()
      %mul3A_80 = arith.constant 4096 : i32
      %mul3A_81 = arith.muli %add3A_30, %mul3A_80 : i32
      %add3A_82 = arith.constant 32768 : i32
      %add3A_83 = arith.addi %add3A_82, %mul3A_81 : i32
      "tpu.region"() ({
        %run_scoped3A = tpu.sem_alloc : memref<!tpu.dma_semaphore, #tpu.memory_space<semaphore_mem>>
        %dma_start3A = tpu.memref_slice %arg3[%add3A_83] : memref<98304xf32, #tpu.memory_space<hbm>> -> memref<4096xf32, #tpu.memory_space<hbm>>
        %dma_start3A_96 = tpu.memref_slice %arg3[%add3A_83] : memref<98304xf32, #tpu.memory_space<hbm>> -> memref<4096xf32, #tpu.memory_space<hbm>>
        tpu.enqueue_dma source(%arg7 : memref<4096xf32, #tpu.memory_space<vmem>>) target(%dma_start3A_96 : memref<4096xf32, #tpu.memory_space<hbm>>) target_semaphore(%run_scoped3A : memref<!tpu.dma_semaphore, #tpu.memory_space<semaphore_mem>>)
        %dma_wait3A = tpu.memref_slice %arg3[%add3A_83] : memref<98304xf32, #tpu.memory_space<hbm>> -> memref<4096xf32, #tpu.memory_space<hbm>>
        %dma_wait3A_97 = tpu.memref_slice %arg3[%add3A_83] : memref<98304xf32, #tpu.memory_space<hbm>> -> memref<4096xf32, #tpu.memory_space<hbm>>
        tpu.wait_dma2 semaphore(%run_scoped3A : memref<!tpu.dma_semaphore, #tpu.memory_space<semaphore_mem>>) src(%arg7 : memref<4096xf32, #tpu.memory_space<vmem>>) dst(%dma_wait3A_97 : memref<4096xf32, #tpu.memory_space<hbm>>)
        tpu.yield
      }) : () -> ()
      %mul3A_84 = arith.constant 1024 : i32
      %mul3A_85 = arith.muli %add3A_30, %mul3A_84 : i32
      %add3A_86 = arith.constant 8192 : i32
      %add3A_87 = arith.addi %add3A_86, %mul3A_85 : i32
      "tpu.region"() ({
        %run_scoped3A = tpu.sem_alloc : memref<!tpu.dma_semaphore, #tpu.memory_space<semaphore_mem>>
        %dma_start3A = tpu.memref_slice %arg4[%add3A_87] : memref<24576xf32, #tpu.memory_space<hbm>> -> memref<1024xf32, #tpu.memory_space<hbm>>
        %dma_start3A_96 = tpu.memref_slice %arg4[%add3A_87] : memref<24576xf32, #tpu.memory_space<hbm>> -> memref<1024xf32, #tpu.memory_space<hbm>>
        tpu.enqueue_dma source(%arg12 : memref<1024xf32, #tpu.memory_space<vmem>>) target(%dma_start3A_96 : memref<1024xf32, #tpu.memory_space<hbm>>) target_semaphore(%run_scoped3A : memref<!tpu.dma_semaphore, #tpu.memory_space<semaphore_mem>>)
        %dma_wait3A = tpu.memref_slice %arg4[%add3A_87] : memref<24576xf32, #tpu.memory_space<hbm>> -> memref<1024xf32, #tpu.memory_space<hbm>>
        %dma_wait3A_97 = tpu.memref_slice %arg4[%add3A_87] : memref<24576xf32, #tpu.memory_space<hbm>> -> memref<1024xf32, #tpu.memory_space<hbm>>
        tpu.wait_dma2 semaphore(%run_scoped3A : memref<!tpu.dma_semaphore, #tpu.memory_space<semaphore_mem>>) src(%arg12 : memref<1024xf32, #tpu.memory_space<vmem>>) dst(%dma_wait3A_97 : memref<1024xf32, #tpu.memory_space<hbm>>)
        tpu.yield
      }) : () -> ()
      %mul3A_88 = arith.constant 4096 : i32
      %mul3A_89 = arith.muli %add3A_30, %mul3A_88 : i32
      %add3A_90 = arith.constant 65536 : i32
      %add3A_91 = arith.addi %add3A_90, %mul3A_89 : i32
      "tpu.region"() ({
        %run_scoped3A = tpu.sem_alloc : memref<!tpu.dma_semaphore, #tpu.memory_space<semaphore_mem>>
        %dma_start3A = tpu.memref_slice %arg3[%add3A_91] : memref<98304xf32, #tpu.memory_space<hbm>> -> memref<4096xf32, #tpu.memory_space<hbm>>
        %dma_start3A_96 = tpu.memref_slice %arg3[%add3A_91] : memref<98304xf32, #tpu.memory_space<hbm>> -> memref<4096xf32, #tpu.memory_space<hbm>>
        tpu.enqueue_dma source(%arg8 : memref<4096xf32, #tpu.memory_space<vmem>>) target(%dma_start3A_96 : memref<4096xf32, #tpu.memory_space<hbm>>) target_semaphore(%run_scoped3A : memref<!tpu.dma_semaphore, #tpu.memory_space<semaphore_mem>>)
        %dma_wait3A = tpu.memref_slice %arg3[%add3A_91] : memref<98304xf32, #tpu.memory_space<hbm>> -> memref<4096xf32, #tpu.memory_space<hbm>>
        %dma_wait3A_97 = tpu.memref_slice %arg3[%add3A_91] : memref<98304xf32, #tpu.memory_space<hbm>> -> memref<4096xf32, #tpu.memory_space<hbm>>
        tpu.wait_dma2 semaphore(%run_scoped3A : memref<!tpu.dma_semaphore, #tpu.memory_space<semaphore_mem>>) src(%arg8 : memref<4096xf32, #tpu.memory_space<vmem>>) dst(%dma_wait3A_97 : memref<4096xf32, #tpu.memory_space<hbm>>)
        tpu.yield
      }) : () -> ()
      %mul3A_92 = arith.constant 1024 : i32
      %mul3A_93 = arith.muli %add3A_30, %mul3A_92 : i32
      %add3A_94 = arith.constant 16384 : i32
      %add3A_95 = arith.addi %add3A_94, %mul3A_93 : i32
      "tpu.region"() ({
        %run_scoped3A = tpu.sem_alloc : memref<!tpu.dma_semaphore, #tpu.memory_space<semaphore_mem>>
        %dma_start3A = tpu.memref_slice %arg4[%add3A_95] : memref<24576xf32, #tpu.memory_space<hbm>> -> memref<1024xf32, #tpu.memory_space<hbm>>
        %dma_start3A_96 = tpu.memref_slice %arg4[%add3A_95] : memref<24576xf32, #tpu.memory_space<hbm>> -> memref<1024xf32, #tpu.memory_space<hbm>>
        tpu.enqueue_dma source(%arg13 : memref<1024xf32, #tpu.memory_space<vmem>>) target(%dma_start3A_96 : memref<1024xf32, #tpu.memory_space<hbm>>) target_semaphore(%run_scoped3A : memref<!tpu.dma_semaphore, #tpu.memory_space<semaphore_mem>>)
        %dma_wait3A = tpu.memref_slice %arg4[%add3A_95] : memref<24576xf32, #tpu.memory_space<hbm>> -> memref<1024xf32, #tpu.memory_space<hbm>>
        %dma_wait3A_97 = tpu.memref_slice %arg4[%add3A_95] : memref<24576xf32, #tpu.memory_space<hbm>> -> memref<1024xf32, #tpu.memory_space<hbm>>
        tpu.wait_dma2 semaphore(%run_scoped3A : memref<!tpu.dma_semaphore, #tpu.memory_space<semaphore_mem>>) src(%arg13 : memref<1024xf32, #tpu.memory_space<vmem>>) dst(%dma_wait3A_97 : memref<1024xf32, #tpu.memory_space<hbm>>)
        tpu.yield
      }) : () -> ()
    } else {
    }
    return
  }
}

module attributes {stable_mosaic.version = 14 : i64} {
  func.func @_mlp_body(%arg0: i32, %arg1: i32, %arg2: i32, %arg3: memref<1x1x3x32768xf32, #tpu.memory_space<vmem>>, %arg4: memref<32x4xf32, #tpu.memory_space<vmem>>, %arg5: memref<64x32xf32, #tpu.memory_space<vmem>>, %arg6: memref<1x1x64x1024xf32, #tpu.memory_space<vmem>>) attributes {dimension_semantics = [#tpu.dimension_semantics<arbitrary>, #tpu.dimension_semantics<arbitrary>, #tpu.dimension_semantics<arbitrary>], iteration_bounds = array<i64: 2, 4, 3>, scalar_prefetch = 0 : i64, scratch_operands = 0 : i64, tpu.core_type = #tpu.core_type<tc>, window_params = [{transform_indices = @transform_0, window_bounds = array<i64: 1, 1, 3, 32768>}, {pipeline_mode = #tpu.pipeline_mode<synchronous>, transform_indices = @transform_1, window_bounds = array<i64: 32, 4>}, {pipeline_mode = #tpu.pipeline_mode<synchronous>, transform_indices = @transform_2, window_bounds = array<i64: 64, 32>}, {transform_indices = @transform_3, window_bounds = array<i64: 1, 1, 64, 1024>}]} {
    %get3A = arith.constant 0 : index
    %get3A_0 = arith.constant 0 : index
    %get3A_1 = arith.constant 0 : index
    %get3A_2 = arith.constant 0 : index
    %get3A_3 = vector.load %arg3[%get3A, %get3A_0, %get3A_1, %get3A_2] : memref<1x1x3x32768xf32, #tpu.memory_space<vmem>>, vector<1x1x3x32768xf32>
    %get3A_4 = vector.shape_cast %get3A_3 : vector<1x1x3x32768xf32> to vector<3x32768xf32>
    %get3A_5 = arith.constant 0 : index
    %get3A_6 = arith.constant 0 : index
    %get3A_7 = vector.load %arg4[%get3A_5, %get3A_6] : memref<32x4xf32, #tpu.memory_space<vmem>>, vector<32x4xf32>
    %convert_element_type3A = arith.sitofp %arg2 : i32 to f32
    %sub3A = arith.constant 1.000000e+00 : f32
    %sub3A_8 = arith.subf %convert_element_type3A, %sub3A : f32
    %slice3A = vector.extract_strided_slice %get3A_7 {offsets = [0, 3], sizes = [32, 1], strides = [1, 1]} : vector<32x4xf32> to vector<32x1xf32>
    %mul3A = vector.broadcast %sub3A_8 : f32 to vector<32x1xf32>
    %mul3A_9 = arith.mulf %mul3A, %slice3A : vector<32x1xf32>
    %slice3A_10 = vector.extract_strided_slice %get3A_7 {offsets = [0, 0], sizes = [32, 1], strides = [1, 1]} : vector<32x4xf32> to vector<32x1xf32>
    %slice3A_11 = vector.extract_strided_slice %get3A_4 {offsets = [0, 0], sizes = [1, 32768], strides = [1, 1]} : vector<3x32768xf32> to vector<1x32768xf32>
    %mul3A_12 = vector.broadcast %slice3A_10 : vector<32x1xf32> to vector<32x32768xf32>
    %mul3A_13 = vector.broadcast %slice3A_11 : vector<1x32768xf32> to vector<32x32768xf32>
    %mul3A_14 = arith.mulf %mul3A_12, %mul3A_13 : vector<32x32768xf32>
    %slice3A_15 = vector.extract_strided_slice %get3A_7 {offsets = [0, 1], sizes = [32, 1], strides = [1, 1]} : vector<32x4xf32> to vector<32x1xf32>
    %slice3A_16 = vector.extract_strided_slice %get3A_4 {offsets = [1, 0], sizes = [1, 32768], strides = [1, 1]} : vector<3x32768xf32> to vector<1x32768xf32>
    %mul3A_17 = vector.broadcast %slice3A_15 : vector<32x1xf32> to vector<32x32768xf32>
    %mul3A_18 = vector.broadcast %slice3A_16 : vector<1x32768xf32> to vector<32x32768xf32>
    %mul3A_19 = arith.mulf %mul3A_17, %mul3A_18 : vector<32x32768xf32>
    %add3A = arith.addf %mul3A_14, %mul3A_19 : vector<32x32768xf32>
    %slice3A_20 = vector.extract_strided_slice %get3A_7 {offsets = [0, 2], sizes = [32, 1], strides = [1, 1]} : vector<32x4xf32> to vector<32x1xf32>
    %slice3A_21 = vector.extract_strided_slice %get3A_4 {offsets = [2, 0], sizes = [1, 32768], strides = [1, 1]} : vector<3x32768xf32> to vector<1x32768xf32>
    %mul3A_22 = vector.broadcast %slice3A_20 : vector<32x1xf32> to vector<32x32768xf32>
    %mul3A_23 = vector.broadcast %slice3A_21 : vector<1x32768xf32> to vector<32x32768xf32>
    %mul3A_24 = arith.mulf %mul3A_22, %mul3A_23 : vector<32x32768xf32>
    %add3A_25 = arith.addf %add3A, %mul3A_24 : vector<32x32768xf32>
    %add3A_26 = vector.broadcast %mul3A_9 : vector<32x1xf32> to vector<32x32768xf32>
    %add3A_27 = arith.addf %add3A_25, %add3A_26 : vector<32x32768xf32>
    %max3A = arith.constant 0.000000e+00 : f32
    %max3A_28 = vector.broadcast %max3A : f32 to vector<32x32768xf32>
    %max3A_29 = arith.maximumf %add3A_27, %max3A_28 : vector<32x32768xf32>
    %get3A_30 = arith.constant 0 : index
    %get3A_31 = arith.constant 0 : index
    %get3A_32 = vector.load %arg5[%get3A_30, %get3A_31] : memref<64x32xf32, #tpu.memory_space<vmem>>, vector<64x32xf32>
    %dot_general3A = arith.constant dense<0.000000e+00> : vector<64x32768xf32>
    %dot_general3A_33 = tpu.matmul %get3A_32, %max3A_29, %dot_general3A {dimension_numbers = #tpu.dot_dimension_numbers<[1], [0], [0], [1], [0, 0, 1, 1], [], []>, transpose_lhs_hint = false} : vector<64x32xf32>, vector<32x32768xf32>, vector<64x32768xf32> -> vector<64x32768xf32>
    %max3A_34 = arith.constant 0.000000e+00 : f32
    %max3A_35 = vector.broadcast %max3A_34 : f32 to vector<64x32768xf32>
    %max3A_36 = arith.maximumf %dot_general3A_33, %max3A_35 : vector<64x32768xf32>
    %slice3A_37 = vector.extract_strided_slice %max3A_36 {offsets = [0, 0], sizes = [64, 1024], strides = [1, 1]} : vector<64x32768xf32> to vector<64x1024xf32>
    %slice3A_38 = vector.extract_strided_slice %max3A_36 {offsets = [0, 1024], sizes = [64, 1024], strides = [1, 1]} : vector<64x32768xf32> to vector<64x1024xf32>
    %max3A_39 = arith.maximumf %slice3A_37, %slice3A_38 : vector<64x1024xf32>
    %slice3A_40 = vector.extract_strided_slice %max3A_36 {offsets = [0, 2048], sizes = [64, 1024], strides = [1, 1]} : vector<64x32768xf32> to vector<64x1024xf32>
    %max3A_41 = arith.maximumf %max3A_39, %slice3A_40 : vector<64x1024xf32>
    %slice3A_42 = vector.extract_strided_slice %max3A_36 {offsets = [0, 3072], sizes = [64, 1024], strides = [1, 1]} : vector<64x32768xf32> to vector<64x1024xf32>
    %max3A_43 = arith.maximumf %max3A_41, %slice3A_42 : vector<64x1024xf32>
    %slice3A_44 = vector.extract_strided_slice %max3A_36 {offsets = [0, 4096], sizes = [64, 1024], strides = [1, 1]} : vector<64x32768xf32> to vector<64x1024xf32>
    %max3A_45 = arith.maximumf %max3A_43, %slice3A_44 : vector<64x1024xf32>
    %slice3A_46 = vector.extract_strided_slice %max3A_36 {offsets = [0, 5120], sizes = [64, 1024], strides = [1, 1]} : vector<64x32768xf32> to vector<64x1024xf32>
    %max3A_47 = arith.maximumf %max3A_45, %slice3A_46 : vector<64x1024xf32>
    %slice3A_48 = vector.extract_strided_slice %max3A_36 {offsets = [0, 6144], sizes = [64, 1024], strides = [1, 1]} : vector<64x32768xf32> to vector<64x1024xf32>
    %max3A_49 = arith.maximumf %max3A_47, %slice3A_48 : vector<64x1024xf32>
    %slice3A_50 = vector.extract_strided_slice %max3A_36 {offsets = [0, 7168], sizes = [64, 1024], strides = [1, 1]} : vector<64x32768xf32> to vector<64x1024xf32>
    %max3A_51 = arith.maximumf %max3A_49, %slice3A_50 : vector<64x1024xf32>
    %slice3A_52 = vector.extract_strided_slice %max3A_36 {offsets = [0, 8192], sizes = [64, 1024], strides = [1, 1]} : vector<64x32768xf32> to vector<64x1024xf32>
    %max3A_53 = arith.maximumf %max3A_51, %slice3A_52 : vector<64x1024xf32>
    %slice3A_54 = vector.extract_strided_slice %max3A_36 {offsets = [0, 9216], sizes = [64, 1024], strides = [1, 1]} : vector<64x32768xf32> to vector<64x1024xf32>
    %max3A_55 = arith.maximumf %max3A_53, %slice3A_54 : vector<64x1024xf32>
    %slice3A_56 = vector.extract_strided_slice %max3A_36 {offsets = [0, 10240], sizes = [64, 1024], strides = [1, 1]} : vector<64x32768xf32> to vector<64x1024xf32>
    %max3A_57 = arith.maximumf %max3A_55, %slice3A_56 : vector<64x1024xf32>
    %slice3A_58 = vector.extract_strided_slice %max3A_36 {offsets = [0, 11264], sizes = [64, 1024], strides = [1, 1]} : vector<64x32768xf32> to vector<64x1024xf32>
    %max3A_59 = arith.maximumf %max3A_57, %slice3A_58 : vector<64x1024xf32>
    %slice3A_60 = vector.extract_strided_slice %max3A_36 {offsets = [0, 12288], sizes = [64, 1024], strides = [1, 1]} : vector<64x32768xf32> to vector<64x1024xf32>
    %max3A_61 = arith.maximumf %max3A_59, %slice3A_60 : vector<64x1024xf32>
    %slice3A_62 = vector.extract_strided_slice %max3A_36 {offsets = [0, 13312], sizes = [64, 1024], strides = [1, 1]} : vector<64x32768xf32> to vector<64x1024xf32>
    %max3A_63 = arith.maximumf %max3A_61, %slice3A_62 : vector<64x1024xf32>
    %slice3A_64 = vector.extract_strided_slice %max3A_36 {offsets = [0, 14336], sizes = [64, 1024], strides = [1, 1]} : vector<64x32768xf32> to vector<64x1024xf32>
    %max3A_65 = arith.maximumf %max3A_63, %slice3A_64 : vector<64x1024xf32>
    %slice3A_66 = vector.extract_strided_slice %max3A_36 {offsets = [0, 15360], sizes = [64, 1024], strides = [1, 1]} : vector<64x32768xf32> to vector<64x1024xf32>
    %max3A_67 = arith.maximumf %max3A_65, %slice3A_66 : vector<64x1024xf32>
    %slice3A_68 = vector.extract_strided_slice %max3A_36 {offsets = [0, 16384], sizes = [64, 1024], strides = [1, 1]} : vector<64x32768xf32> to vector<64x1024xf32>
    %max3A_69 = arith.maximumf %max3A_67, %slice3A_68 : vector<64x1024xf32>
    %slice3A_70 = vector.extract_strided_slice %max3A_36 {offsets = [0, 17408], sizes = [64, 1024], strides = [1, 1]} : vector<64x32768xf32> to vector<64x1024xf32>
    %max3A_71 = arith.maximumf %max3A_69, %slice3A_70 : vector<64x1024xf32>
    %slice3A_72 = vector.extract_strided_slice %max3A_36 {offsets = [0, 18432], sizes = [64, 1024], strides = [1, 1]} : vector<64x32768xf32> to vector<64x1024xf32>
    %max3A_73 = arith.maximumf %max3A_71, %slice3A_72 : vector<64x1024xf32>
    %slice3A_74 = vector.extract_strided_slice %max3A_36 {offsets = [0, 19456], sizes = [64, 1024], strides = [1, 1]} : vector<64x32768xf32> to vector<64x1024xf32>
    %max3A_75 = arith.maximumf %max3A_73, %slice3A_74 : vector<64x1024xf32>
    %slice3A_76 = vector.extract_strided_slice %max3A_36 {offsets = [0, 20480], sizes = [64, 1024], strides = [1, 1]} : vector<64x32768xf32> to vector<64x1024xf32>
    %max3A_77 = arith.maximumf %max3A_75, %slice3A_76 : vector<64x1024xf32>
    %slice3A_78 = vector.extract_strided_slice %max3A_36 {offsets = [0, 21504], sizes = [64, 1024], strides = [1, 1]} : vector<64x32768xf32> to vector<64x1024xf32>
    %max3A_79 = arith.maximumf %max3A_77, %slice3A_78 : vector<64x1024xf32>
    %slice3A_80 = vector.extract_strided_slice %max3A_36 {offsets = [0, 22528], sizes = [64, 1024], strides = [1, 1]} : vector<64x32768xf32> to vector<64x1024xf32>
    %max3A_81 = arith.maximumf %max3A_79, %slice3A_80 : vector<64x1024xf32>
    %slice3A_82 = vector.extract_strided_slice %max3A_36 {offsets = [0, 23552], sizes = [64, 1024], strides = [1, 1]} : vector<64x32768xf32> to vector<64x1024xf32>
    %max3A_83 = arith.maximumf %max3A_81, %slice3A_82 : vector<64x1024xf32>
    %slice3A_84 = vector.extract_strided_slice %max3A_36 {offsets = [0, 24576], sizes = [64, 1024], strides = [1, 1]} : vector<64x32768xf32> to vector<64x1024xf32>
    %max3A_85 = arith.maximumf %max3A_83, %slice3A_84 : vector<64x1024xf32>
    %slice3A_86 = vector.extract_strided_slice %max3A_36 {offsets = [0, 25600], sizes = [64, 1024], strides = [1, 1]} : vector<64x32768xf32> to vector<64x1024xf32>
    %max3A_87 = arith.maximumf %max3A_85, %slice3A_86 : vector<64x1024xf32>
    %slice3A_88 = vector.extract_strided_slice %max3A_36 {offsets = [0, 26624], sizes = [64, 1024], strides = [1, 1]} : vector<64x32768xf32> to vector<64x1024xf32>
    %max3A_89 = arith.maximumf %max3A_87, %slice3A_88 : vector<64x1024xf32>
    %slice3A_90 = vector.extract_strided_slice %max3A_36 {offsets = [0, 27648], sizes = [64, 1024], strides = [1, 1]} : vector<64x32768xf32> to vector<64x1024xf32>
    %max3A_91 = arith.maximumf %max3A_89, %slice3A_90 : vector<64x1024xf32>
    %slice3A_92 = vector.extract_strided_slice %max3A_36 {offsets = [0, 28672], sizes = [64, 1024], strides = [1, 1]} : vector<64x32768xf32> to vector<64x1024xf32>
    %max3A_93 = arith.maximumf %max3A_91, %slice3A_92 : vector<64x1024xf32>
    %slice3A_94 = vector.extract_strided_slice %max3A_36 {offsets = [0, 29696], sizes = [64, 1024], strides = [1, 1]} : vector<64x32768xf32> to vector<64x1024xf32>
    %max3A_95 = arith.maximumf %max3A_93, %slice3A_94 : vector<64x1024xf32>
    %slice3A_96 = vector.extract_strided_slice %max3A_36 {offsets = [0, 30720], sizes = [64, 1024], strides = [1, 1]} : vector<64x32768xf32> to vector<64x1024xf32>
    %max3A_97 = arith.maximumf %max3A_95, %slice3A_96 : vector<64x1024xf32>
    %slice3A_98 = vector.extract_strided_slice %max3A_36 {offsets = [0, 31744], sizes = [64, 1024], strides = [1, 1]} : vector<64x32768xf32> to vector<64x1024xf32>
    %max3A_99 = arith.maximumf %max3A_97, %slice3A_98 : vector<64x1024xf32>
    %eq3A = arith.constant 0 : i32
    %eq3A_100 = arith.cmpi eq, %arg2, %eq3A : i32
    %convert_element_type3A_101 = arith.extui %eq3A_100 : i1 to i32
    %cond3A = arith.constant 0 : i32
    %cond3A_102 = arith.cmpi ne, %convert_element_type3A_101, %cond3A : i32
    scf.if %cond3A_102 {
      %swap3A = arith.constant 0 : index
      %swap3A_107 = arith.constant 0 : index
      %swap3A_108 = arith.constant 0 : index
      %swap3A_109 = arith.constant 0 : index
      %swap3A_110 = vector.load %arg6[%swap3A, %swap3A_107, %swap3A_108, %swap3A_109] : memref<1x1x64x1024xf32, #tpu.memory_space<vmem>>, vector<1x1x64x1024xf32>
      %swap3A_111 = vector.shape_cast %swap3A_110 : vector<1x1x64x1024xf32> to vector<64x1024xf32>
      %swap3A_112 = vector.shape_cast %max3A_99 : vector<64x1024xf32> to vector<1x1x64x1024xf32>
      tpu.vector_store %arg6[%swap3A, %swap3A_107, %swap3A_108, %swap3A_109], %swap3A_112 {strides = array<i32>} : memref<1x1x64x1024xf32, #tpu.memory_space<vmem>>, vector<1x1x64x1024xf32>,
    } else {
    }
    %gt3A = arith.constant 0 : i32
    %gt3A_103 = arith.cmpi sgt, %arg2, %gt3A : i32
    %convert_element_type3A_104 = arith.extui %gt3A_103 : i1 to i32
    %cond3A_105 = arith.constant 0 : i32
    %cond3A_106 = arith.cmpi ne, %convert_element_type3A_104, %cond3A_105 : i32
    scf.if %cond3A_106 {
      %get3A_107 = arith.constant 0 : index
      %get3A_108 = arith.constant 0 : index
      %get3A_109 = arith.constant 0 : index
      %get3A_110 = arith.constant 0 : index
      %get3A_111 = vector.load %arg6[%get3A_107, %get3A_108, %get3A_109, %get3A_110] : memref<1x1x64x1024xf32, #tpu.memory_space<vmem>>, vector<1x1x64x1024xf32>
      %get3A_112 = vector.shape_cast %get3A_111 : vector<1x1x64x1024xf32> to vector<64x1024xf32>
      %add3A_113 = arith.addf %get3A_112, %max3A_99 : vector<64x1024xf32>
      %swap3A = arith.constant 0 : index
      %swap3A_114 = arith.constant 0 : index
      %swap3A_115 = arith.constant 0 : index
      %swap3A_116 = arith.constant 0 : index
      %swap3A_117 = vector.load %arg6[%swap3A, %swap3A_114, %swap3A_115, %swap3A_116] : memref<1x1x64x1024xf32, #tpu.memory_space<vmem>>, vector<1x1x64x1024xf32>
      %swap3A_118 = vector.shape_cast %swap3A_117 : vector<1x1x64x1024xf32> to vector<64x1024xf32>
      %swap3A_119 = vector.shape_cast %add3A_113 : vector<64x1024xf32> to vector<1x1x64x1024xf32>
      tpu.vector_store %arg6[%swap3A, %swap3A_114, %swap3A_115, %swap3A_116], %swap3A_119 {strides = array<i32>} : memref<1x1x64x1024xf32, #tpu.memory_space<vmem>>, vector<1x1x64x1024xf32>,
    } else {
    }
    return
  }
  func.func @transform_0(%arg0: i32, %arg1: i32, %arg2: i32) -> (i32, i32, i32, i32) {
    %mul3A = arith.constant 3 : i32
    %mul3A_0 = arith.muli %arg1, %mul3A : i32
    %add3A = arith.addi %mul3A_0, %arg2 : i32
    %sub3A = arith.constant 1 : i32
    %sub3A_1 = arith.subi %add3A, %sub3A : i32
    %jit3A = arith.constant 0 : i32
    %jit3A_2 = arith.constant 9 : i32
    %max3A = arith.maxsi %jit3A, %sub3A_1 : i32
    %min3A = arith.minsi %jit3A_2, %max3A : i32
    %c0_i32 = arith.constant 0 : i32
    %c0_i32_3 = arith.constant 0 : i32
    %c0_i32_4 = arith.constant 0 : i32
    return %min3A, %arg0, %c0_i32, %c0_i32_3 : i32, i32, i32, i32
  }
  func.func @transform_1(%arg0: i32, %arg1: i32, %arg2: i32) -> (i32, i32) {
    %c0_i32 = arith.constant 0 : i32
    %c0_i32_0 = arith.constant 0 : i32
    %c0_i32_1 = arith.constant 0 : i32
    return %c0_i32, %c0_i32_0 : i32, i32
  }
  func.func @transform_2(%arg0: i32, %arg1: i32, %arg2: i32) -> (i32, i32) {
    %c0_i32 = arith.constant 0 : i32
    %c0_i32_0 = arith.constant 0 : i32
    %c0_i32_1 = arith.constant 0 : i32
    return %c0_i32, %c0_i32_0 : i32, i32
  }
  func.func @transform_3(%arg0: i32, %arg1: i32, %arg2: i32) -> (i32, i32, i32, i32) {
    %c0_i32 = arith.constant 0 : i32
    %c0_i32_0 = arith.constant 0 : i32
    %c0_i32_1 = arith.constant 0 : i32
    return %arg0, %arg1, %c0_i32, %c0_i32_0 : i32, i32, i32, i32
  }
}

</mosaic_0001>

<sc_bundles>
// kernel: kernel.5.cloned.1.call-start
scs
__scs_entry_jumppad:
0x0: {  	(pc) =	sbr.rel $0x88, $3  }
0x1: {  	(tag) =	ssettag $0x0;
	lr =	simm.s32 $0x1  }
0x2: {  	[smem:$0x3F9E] =	sst lr;
	_ =	strace $0xD0000000  }
0x3: {  	_ = 	snop  }
0x4: {  	_ = 	snop  }
0x5: {  	_ = 	snop  }
0x6: {  	_ = 	snop  }
0x7: {  	_ = 	snop  }
__scs_overlays_trampoline_lowered:
0x8: {  	[smem:$0x3FAD] =	sst s0  }
0x9: {  	[smem:$0x3FAE] =	sst s1  }
0xa: {  	[smem:$0x3FAF] =	sst s2  }
0xb: {  	[smem:$0x3FB0] =	sst s3  }
0xc: {  	[smem:$0x3FB1] =	sst s4  }
0xd: {  	[smem:$0x3FB2] =	sst s5  }
0xe: {  	[smem:$0x3FB3] =	sst s6  }
0xf: {  	[smem:$0x3FB4] =	sst s7  }
0x10: {  	[smem:$0x3FB5] =	sst s8  }
0x11: {  	[smem:$0x3FB6] =	sst s9;
	s0 =	simm.s32 @!p0 $0x0  }
0x12: {  	s1 =	sld [smem:$0x3F9C];
	s0 =	simm.s32 @p0 $0x1  }
0x13: {  	[smem:$0x3FB7] =	sst s0;
	s0 =	simm.s32 @!p1 $0x0  }
0x14: {  	s2 =	sld [smem:$0x3F9B];
	s0 =	simm.s32 @p1 $0x1  }
0x15: {  	[smem:$0x3FB8] =	sst s0;
	s0 =	simm.s32 @!p2 $0x0  }
0x16: {  	s3 =	sld [smem:$0x3FDB];
	s0 =	simm.s32 @p2 $0x1  }
0x17: {  	s4 =	simm.s32 $0x1BF5;
	[smem:$0x3FBA] =	sst s0  }
0x18: {  	s0 =	sld [smem:$0x3F9D];
	_ =	swait.ge [sflag:s4], $0x0  }
0x19: {  	s7 =	sld [smem:$0x3F9E]  }
0x1a: {  	s8 =	sadd.s32 $0xFFFFE003, lr  }
0x1b: {  	s9 =	sadd.s32 $0xFFFFFEF7, lr;
	s5 =	simm.s32 $0xFFFFFFFF;
	p2 =	slt.u32 s8, $0xFFFFF086  }
0x1c: {  	p1 =	slt.u32 s9, $0xF7A;
	s5 =	simm.s32 @!p2 $0x0  }
0x1d: {  	s5 =	simm.s32 @p1 $0x1;
	p0 =	seq.s32 s7, s2  }
0x1e: {  	s7 =	smul.u32 @!p0 $0xF7A, s2;
	p2 =	seq.s32 @!p0 s5, $0x0  }
0x1f: {  	s9 =	smul.u32 $0xF7A, s1;
	s8 =	simm.s32 @!p0 $0x1BF5;
	p2 =	por !p2, p0  }
0x20: {  	[sflag:s8] =	ssyncset.s32 @!p0 $0xFFFFF086;
	s6 =	sadd.s32 @!p0 s3, s7;
	s7 =	simm.s32 @!p0 $0x108  }
0x21: {  	s3 =	sadd.s32 s3, s9;
	s6 =	sadd.s32 @!p0 $0x88, s6;
	s7 =	simm.s32 @p2 $0x1082  }
0x22: {  	[simem:s7], [sflag:s8] =	dma.local @!p0 [hbm:s6], $0xF7A  }
0x23: {  	s9 =	sor.u32 $0xD0000000, s2;
	s6 =	simm.s32 $0x108;
	_ =	swait.ge @!p0 [sflag:s8], $0x0  }
0x24: {  	s3 =	sadd.s32 $0x88, s3;
	s6 =	simm.s32 @!p1 $0x1082;
	[sflag:s4] =	ssyncset.s32 $0xFFFFF086  }
0x25: {  	[simem:s6], [sflag:s4] =	dma.local [hbm:s3], $0xF7A  }
0x26: {  	[smem:$0x3F9E] =	sst s1;
	(tag) =	ssettag s2;
	_ =	strace s9  }
0x27: {  	s1 =	sld [smem:$0x3FAE]  }
0x28: {  	s2 =	sld [smem:$0x3FAF]  }
0x29: {  	s4 =	sld [smem:$0x3FB1]  }
0x2a: {  	p0 =	seq.s32 s5, $0x0;
	s5 =	sld [smem:$0x3FB2]  }
0x2b: {  	s6 =	sld [smem:$0x3FB3]  }
0x2c: {  	s7 =	sld [smem:$0x3FB4]  }
0x2d: {  	s3 =	simm.s32 $0x108;
	s8 =	sld [smem:$0x3FB5]  }
0x2e: {  	s3 =	simm.s32 @!p0 $0x1082;
	s9 =	sld [smem:$0x3FB6]  }
0x2f: {  	lr =	sadd.s32 s0, s3;
	s0 =	sld [smem:$0x3FAD]  }
0x30: {  	s3 =	sld [smem:$0x3FB0]  }
0x31: {  	[smem:$0x3FB9] =	sst s10  }
0x32: {  	s10 =	sld [smem:$0x3FB7];
	_ =	sdelay $0x3  }
0x33: {  	p0 =	seq.s32 s10, $0x1;
	s10 =	sld [smem:$0x3FB9];
	_ =	sdelay $0x3  }
0x34: {  	[smem:$0x3FB9] =	sst s10  }
0x35: {  	s10 =	sld [smem:$0x3FB8];
	_ =	sdelay $0x3  }
0x36: {  	p1 =	seq.s32 s10, $0x1;
	s10 =	sld [smem:$0x3FB9];
	_ =	sdelay $0x3  }
0x37: {  	[smem:$0x3FB9] =	sst s10  }
0x38: {  	s10 =	sld [smem:$0x3FBA]  }
0x39: {  	_ = 	snop;
	(pc) =	sbr.ind lr, $3  }
0x3a: {  	_ = 	snop  }
0x3b: {  	_ = 	snop  }
0x3c: {  	p2 =	seq.s32 s10, $0x1;
	s10 =	sld [smem:$0x3FB9]  }
0x3d: {  	_ =	shalt  }
0x3e: {  	_ =	shalt  }
0x3f: {  	_ =	shalt  }
0x40: {  	_ =	shalt  }
0x41: {  	_ =	shalt  }
0x42: {  	_ =	shalt  }
0x43: {  	_ =	shalt  }
0x44: {  	_ =	shalt  }
0x45: {  	_ =	shalt  }
0x46: {  	_ =	shalt  }
0x47: {  	_ =	shalt  }
0x48: {  	_ =	shalt  }
0x49: {  	_ =	shalt  }
0x4a: {  	_ =	shalt  }
0x4b: {  	_ =	shalt  }
0x4c: {  	_ =	shalt  }
0x4d: {  	_ =	shalt  }
0x4e: {  	_ =	shalt  }
0x4f: {  	_ =	shalt  }
0x50: {  	_ =	shalt  }
0x51: {  	_ =	shalt  }
0x52: {  	_ =	shalt  }
0x53: {  	_ =	shalt  }
0x54: {  	_ =	shalt  }
0x55: {  	_ =	shalt  }
0x56: {  	_ =	shalt  }
0x57: {  	_ =	shalt  }
0x58: {  	_ =	shalt  }
0x59: {  	_ =	shalt  }
0x5a: {  	_ =	shalt  }
0x5b: {  	_ =	shalt  }
0x5c: {  	_ =	shalt  }
0x5d: {  	_ =	shalt  }
0x5e: {  	_ =	shalt  }
0x5f: {  	_ =	shalt  }
0x60: {  	_ =	shalt  }
0x61: {  	_ =	shalt  }
0x62: {  	_ =	shalt  }
0x63: {  	_ =	shalt  }
0x64: {  	_ =	shalt  }
0x65: {  	_ =	shalt  }
0x66: {  	_ =	shalt  }
0x67: {  	_ =	shalt  }
0x68: {  	_ =	shalt  }
0x69: {  	_ =	shalt  }
0x6a: {  	_ =	shalt  }
0x6b: {  	_ =	shalt  }
0x6c: {  	_ =	shalt  }
0x6d: {  	_ =	shalt  }
0x6e: {  	_ =	shalt  }
0x6f: {  	_ =	shalt  }
0x70: {  	_ =	shalt  }
0x71: {  	_ =	shalt  }
0x72: {  	_ =	shalt  }
0x73: {  	_ =	shalt  }
0x74: {  	_ =	shalt  }
0x75: {  	_ =	shalt  }
0x76: {  	_ =	shalt  }
0x77: {  	_ =	shalt  }
0x78: {  	_ =	shalt  }
0x79: {  	_ =	shalt  }
0x7a: {  	_ =	shalt  }
0x7b: {  	_ =	shalt  }
0x7c: {  	_ =	shalt  }
0x7d: {  	_ =	shalt  }
0x7e: {  	_ =	shalt  }
0x7f: {  	_ =	shalt  }
0x80: {  	_ =	shalt  }
0x81: {  	_ =	shalt  }
0x82: {  	_ =	shalt  }
0x83: {  	_ =	shalt  }
0x84: {  	_ =	shalt  }
0x85: {  	_ =	shalt  }
0x86: {  	_ =	shalt  }
0x87: {  	_ =	shalt  }
.Lfunc_end0:
.L_simem_size_0:
called_computation_lowered:
.L_overlay_start_0:
0x88: {  	s2 =	sld [smem:$0x3FD9]  }
0x89: {  	s3 =	sld [smem:$0x3FFE];
	_ =	sdelay $0x1  }
0x8a: {  	s1 =	srdreg.scid  }
0x8b: {  	s0 =	sand.u32 $0x1, s1  }
0x8c: {  	s14 =	sshll.u32 s0, $0xA;
	s2 =	sadd.s32 s3, s2  }
0x8d: {  	s2 =	sadd.s32 s2, s14  }
0x8e: {  	[smem:$0x3FC5] =	sst s2  }
0x8f: {  	_ = 	snop  }
0x90: {  	s2 =	sld [smem:$0x3FD0];
	_ =	sdelay $0x2  }
0x91: {  	s15 =	simm.s32 $0xA;
	s4 =	simm.s32 $0x10  }
0x92: {  	[smem:s4], [sflag:s15] =	dma.local [hbm:s2], $0x1  }
0x93: {  	_ =	swait.eq [sflag:s15], $0x1  }
0x94: {  	[sflag:s15] =	ssyncset.done $0x0  }
0x95: {  	[sflag:s15] =	ssyncadd.s32 $0xFFFFFFFF  }
0x96: {  	s16 =	sld [smem:$0x11];
	(tm) =	ssettm $0x1  }
0x97: {  	s17 =	sld [smem:$0x3FFB];
	_ =	sdelay $0x3  }
0x98: {  	_ =	strace s17  }
0x99: {  	s3 =	sld [smem:$0x3FFC];
	_ =	sdelay $0x3  }
0x9a: {  	_ =	strace s3  }
0x9b: {  	s3 =	sld [smem:$0x3FFD];
	_ =	sdelay $0x3  }
0x9c: {  	_ =	strace s3  }
0x9d: {  	_ =	strace $0x8FFFFFFF  }
0x9e: {  	s18 =	sld [smem:$0x3FDB];
	_ =	sdelay $0x1  }
0x9f: {  	s19 =	simm.s32 $_scs_section_size  }
0xa0: {  	s5 =	simm.s32 $_size__tile_overlayer_lowered;
	s6 =	simm.s32 $_tile_overlayer_lowered  }
0xa1: {  	s22 =	simm.s32 $0x1BFF;
	s21 =	sshll.u32 s6, $0x1;
	s3 =	sadd.s32 s19, s18  }
0xa2: {  	s7 =	simm.s32 $0x0;
	s20 =	sshll.u32 s5, $0x1;
	s5 =	sadd.s32 s21, s3  }
0xa3: {  	[timem:s7], [sflag:s22] =	dma.local [hbm:s5], s20  }
0xa4: {  	_ =	swait.ge [sflag:s22], s20  }
0xa5: {  	s4 =	ssub.s32 $0x0, s20;
	[sflag:s22] =	ssyncset.done $0x0  }
0xa6: {  	[sflag:s22] =	ssyncadd.s32 s4;
	_ =	sdelay $0x1  }
0xa7: {  	s23 =	simm.s32 $0x1B8B  }
0xa8: {  	_ =	swait.ge [sflag:s23], $0x1  }
0xa9: {  	[sflag:s23] =	ssyncset.done $0x0  }
0xaa: {  	s25 =	simm.s32 $0x1B8E;
	s24 =	sld [smem:$0x3FFE];
	[sflag:s23] =	ssyncadd.s32 $0xFFFFFFFF  }
0xab: {  	s26 =	simm.s32 $execute0_lowered;
	[smem:$0x3FD2] =	sst s25  }
0xac: {  	s5 =	sshll.u32 s26, $0x1;
	_ =	strace $0x80000046;
	[dreg:$0x1] =	wrdreg $0xFFFFFFFF  }
0xad: {  	s28 =	simm.s32 $_size_execute0_lowered;
	s3 =	sadd.s32 s3, s5;
	[dreg:$0x0] =	wrdreg $0x0  }
0xae: {  	s5 =	sshll.u32 s28, $0x1;
	[dreg:$0x2] =	wrdreg s3  }
0xaf: {  	[dreg:$0x3] =	wrdreg s5  }
0xb0: {  	[dreg:$0x4] =	wrdreg $0xC0  }
0xb1: {  	_ =	task [dreg:s7], $0x5FFFF  }
0xb2: {  	[dreg:$0x1] =	wrdreg $0xFFFFFFFF  }
0xb3: {  	[dreg:$0x0] =	wrdreg $0x60  }
0xb4: {  	[dreg:$0x2] =	wrdreg s16  }
0xb5: {  	[dreg:$0x3] =	wrdreg s24  }
0xb6: {  	[dreg:$0x4] =	wrdreg $0x76800  }
0xb7: {  	[dreg:$0x5] =	wrdreg $0x9  }
0xb8: {  	_ =	task.clear_ibuf [dreg:s7], $0x6FFFF;
	_ =	strace $0x90000046  }
0xb9: {  	s29 =	simm.s32 $0x9;
	_ =	strace $0x80000048  }
0xba: {  	_ =	swait.ge [sflag:s29], $0x1  }
0xbb: {  	[sflag:s29] =	ssyncadd.s32 $0xFFFFFFFF  }
0xbc: {  	_ =	strace $0x90000048  }
0xbd: {  	_ =	sfence  }
0xbe: {  	s30 =	sld [smem:$0x0];
	_ =	sdelay $0x2  }
0xbf: {  	s31 =	sshll.u32 s1, $0xD;
	s1 =	sshrl.u32 s1, $0x2  }
0xc0: {  	s3 =	sand.u32 $0x4000, s31;
	s1 =	sadd.s32 s1, s30  }
0xc1: {  	s0 =	sor.u32 s3, s0;
	s1 =	sshll.u32 s1, $0x11  }
0xc2: {  	s0 =	sor.u32 s1, s0  }
0xc3: {  	s0 =	sadd.s32 $0x8F2B, s0  }
0xc4: {  	[sflag:s0] =	ssyncadd.remote.s32 $0x1  }
0xc5: {  	_ =	sfence.sel $0xFFFF  }
0xc6: {  	[dreg:$0x0] =	wrdreg $0xFFFFFFFF;
	(pc) =	sbr.abs _section_cstart, $3  }
0xc7: {  	[dreg:$0x1] =	wrdreg $0xFFFFFFFF  }
0xc8: {  	_ =	task.clear_ibuf [dreg:s7], $0x2FFFF;
	_ =	strace $0x9FFFFFFF  }
0xc9: {  	(tm) =	ssettm $0x7FFFFFFF  }
tec
execute0_lowered:
.L_overlay_start_1:
0x0: {  	(tag) =	ssettag $0x1  }
0x1: {  	s0 =	rddreg [dreg:$0x0]  }
0x2: {  	s1 =	rddreg [dreg:$0x1]  }
0x3: {  	s4 =	rddreg [dreg:$0x2]  }
0x4: {  	s2 =	srdreg.scid;
	s10 =	stileid.u32;
	s15 =	simm.s32 $0x1  }
0x5: {  	s16 =	simm.s32 $0x6400;
	s17 =	simm.s32 $0x3000;
	s18 =	simm.s32 $0x4000  }
0x6: {  	s19 =	simm.s32 $0x5000;
	s3 =	sand.u32 $0x1, s2;
	s2 =	simm.s32 $0x0  }
0x7: {  	s5 =	sshrl.u32 s10, $0x2;
	s23 =	sand.u32 $0x3, s10;
	s6 =	sshll.u32 s3, $0x2  }
0x8: {  	[smem:$0x7FF] =	sst s2;
	s3 =	ssub.s32 $0x2, s3;
	s21 =	sshll.u32 s5, $0x9  }
0x9: {  	s22 =	sshll.u32 s23, $0x6;
	s24 =	sshll.u32 s23, $0x7;
	s31 =	sshll.u32 s23, $0xA  }
0xa: {  	p0 =	sne.s32 s23, $0x0;
	s6 =	sor.u32 s5, s6;
	_ =	strace $0x80000047  }
0xb: {  	s9 =	sshrl.u32 s3, $0x1;
	s4 =	sadd.s32 s21, s4;
	s12 =	sor.u32 $0x4020, s31  }
0xc: {  	s13 =	sor.u32 $0x3020, s31;
	s14 =	sor.u32 $0x5020, s31;
	s7 =	sshll.u32 s6, $0x9  }
0xd: {  	s21 =	simm.s32 $0x7400;
	s8 =	sshll.u32 s6, $0x7;
	s7 =	sadd.s32 s7, s1  }
0xe: {  	v2 =	vmov s22;
	s22 =	simm.s32 $0x7480;
	s1 =	sadd.s32 s8, s1;
	s25 =	sadd.s32 $0x1200, s7  }
0xf: {  	s6 =	smul.u32 $0x600, s6;
	s26 =	sadd.s32 $0x4200, s1;
	[dreg:$0x4] =	wrdreg s25  }
.Ltmp0:
0x10: {  	s28 =	sadd.s32 $0x2200, s7;
	[dreg:$0x5] =	wrdreg s26;
	(pc) =	sbr.rel .LBB2_1-.Ltmp0, $4  }
0x11: {  	v0 =	vlaneseq.u32;
	s20 =	ssub.s32 s3, s9;
	s29 =	sadd.s32 $0x4600, s1;
	[dreg:$0x6] =	wrdreg s28  }
0x12: {  	v1 =	vmul.u32 $0x3, v0;
	s11 =	smax.u32 s20, $0x1;
	s30 =	sadd.s32 $0x3200, s7;
	[dreg:$0x7] =	wrdreg s29  }
0x13: {  	s20 =	sshrl.u32 s24, $0x2;
	s1 =	sadd.s32 $0x4A00, s1;
	[dreg:$0x8] =	wrdreg s30  }
0x14: {  	v5 =	vimm.f32 $1.000000000e+10;
	v3 =	vadd.s32 $0x1, v1;
	v4 =	vadd.s32 $0x2, v1;
	s3 =	sadd.s32 s0, s6;
	[dreg:$0x9] =	wrdreg s1;
	s26 =	simm.s32 $0x0  }
.LBB2_13:
0x15: {  	s26 =	sadd.s32 $0x1, s26  }
0x16: {  	p1 =	sne.s32 s26, s11  }
.Ltmp1:
0x17: {  	_ = 	snop;
	(pc) =	sbr.rel @!p1 .LBB2_14-.Ltmp1, $1  }
0x18: {  	_ =	sdelay $0x3  }
.LBB2_1:
0x19: {  	v6 =	vmov s2  }
0x1a: {  	v6 =	vmul.u32 $0x3, v6;
	_ =	sdelay $0x1  }
0x1b: {  	v6 =	vbroadcast v6, $0x0;
	_ =	sdelay $0x1  }
0x1c: {  	v7 =	vadd.s32 v1, v6  }
0x1d: {  	[tilespmem:s2], [sflag:$0x1] =	stream.linear.gather [hbm4b:s3+s2], $0x3000, $0x38;
	[tilespmem:$0x7780] =	vst v63  }
0x1e: {  	_ =	swait.ge [sflag:s15], $0x3000  }
0x1f: {  	[sflag:s15] =	ssyncset.done $0x0  }
0x20: {  	[sflag:s15] =	ssyncadd.s32 $0xFFFFD000  }
0x21: {  	v7 =	vld.idx.msk [tilespmem:v7+s2+$0x0], $0xffff  }
0x22: {  	v8 =	vadd.s32 v3, v6;
	_ =	sdelay $0x3  }
0x23: {  	[tilespmem:s17+$0x0] =	vst v7  }
0x24: {  	v7 =	vld.idx.msk [tilespmem:v8+s2+$0x0], $0xffff  }
0x25: {  	s0 =	simm.s32 $0x10;
	v6 =	vadd.s32 v4, v6  }
0x26: {  	v8 =	vmov s0  }
0x27: {  	v8 =	vmul.u32 $0x3, v8;
	_ =	sdelay $0x1  }
0x28: {  	v8 =	vbroadcast v8, $0x0;
	[tilespmem:s18+$0x0] =	vst v7  }
0x29: {  	v6 =	vld.idx.msk [tilespmem:v6+s2+$0x0], $0xffff  }
0x2a: {  	v7 =	vadd.s32 v1, v8;
	_ =	sdelay $0x3  }
0x2b: {  	[tilespmem:s19+$0x0] =	vst v6  }
0x2c: {  	v6 =	vld.idx.msk [tilespmem:v7+s2+$0x0], $0xffff  }
0x2d: {  	v7 =	vadd.s32 v3, v8;
	_ =	sdelay $0x2  }
0x2e: {  	s1 =	simm.s32 $0x3010  }
0x2f: {  	[tilespmem:s1+$0x0] =	vst v6  }
0x30: {  	v7 =	vld.idx.msk [tilespmem:v7+s2+$0x0], $0xffff  }
0x31: {  	v6 =	vadd.s32 v4, v8  }
0x32: {  	s31 =	simm.s32 $0x20;
	s6 =	simm.s32 $0x30  }
0x33: {  	s7 =	simm.s32 $0x4000;
	s5 =	simm.s32 $0x5000;
	s0 =	simm.s32 $0x0;
	v8 =	vmov s31  }
.LBB2_2:
0x34: {  	p1 =	sne.s32 s6, $0xFF0;
	v8 =	vmul.u32 $0x3, v8;
	s7 =	sadd.s32 $0x10, s7  }
0x35: {  	[tilespmem:s7+$0x0] =	vst v7  }
0x36: {  	v8 =	vbroadcast v8, $0x0;
	v6 =	vld.idx.msk [tilespmem:v6+s0+$0x0], $0xffff;
	_ =	sdelay $0x1  }
0x37: {  	v7 =	vadd.s32 v1, v8;
	_ =	sdelay $0x2  }
0x38: {  	s5 =	sadd.s32 $0x10, s5  }
0x39: {  	s0 =	simm.s32 $0x0;
	[tilespmem:s5+$0x0] =	vst v6  }
0x3a: {  	v6 =	vld.idx.msk [tilespmem:v7+s0+$0x0], $0xffff;
	_ =	sdelay $0x1  }
0x3b: {  	v7 =	vadd.s32 v3, v8;
	_ =	sdelay $0x2  }
0x3c: {  	s1 =	sadd.s32 $0x10, s1  }
0x3d: {  	[tilespmem:s1+$0x0] =	vst v6  }
.Ltmp2:
0x3e: {  	v7 =	vld.idx.msk [tilespmem:v7+s0+$0x0], $0xffff;
	(pc) =	sbr.rel @p1 .LBB2_2-.Ltmp2, $3  }
0x3f: {  	_ = 	snop  }
0x40: {  	v6 =	vadd.s32 v4, v8;
	_ =	sdelay $0x1  }
0x41: {  	v8 =	vmov s6;
	s6 =	sadd.s32 $0x10, s6  }
0x42: {  	_ = 	snop  }
0x43: {  	v8 =	vmul.u32 $0x3, v8  }
0x44: {  	s6 =	sadd.s32 $0x10, s7  }
0x45: {  	[tilespmem:s6+$0x0] =	vst v7;
	v7 =	vbroadcast v8, $0x0  }
0x46: {  	v6 =	vld.idx.msk [tilespmem:v6+s0+$0x0], $0xffff  }
0x47: {  	v8 =	vadd.s32 v1, v7;
	_ =	sdelay $0x2  }
0x48: {  	s5 =	sadd.s32 $0x10, s5  }
0x49: {  	[tilespmem:s5+$0x0] =	vst v6  }
0x4a: {  	v6 =	vld.idx.msk [tilespmem:v8+s0+$0x0], $0xffff  }
0x4b: {  	v63 =	vadd.s32 v3, v7;
	_ =	sdelay $0x2  }
0x4c: {  	s1 =	sadd.s32 $0x10, s1  }
0x4d: {  	[tilespmem:s1+$0x0] =	vst v6  }
0x4e: {  	v6 =	vld.idx.msk [tilespmem:v63+s0+$0x0], $0xffff  }
0x4f: {  	v7 =	vadd.s32 v4, v7;
	_ =	sdelay $0x2  }
0x50: {  	s30 =	sadd.s32 $0x10, s6  }
0x51: {  	[tilespmem:s30+$0x0] =	vst v6  }
0x52: {  	p1 =	por $0x1, $0x1;
	v6 =	vld.idx.msk [tilespmem:v7+s0+$0x0], $0xffff  }
.Ltmp3:
0x53: {  	_ = 	snop;
	(pc) =	sbr.rel @!p1 .LBB2_5-.Ltmp3, $3  }
0x54: {  	_ =	sdelay $0x1  }
0x55: {  	s31 =	sadd.s32 $0x10, s5  }
0x56: {  	s5 =	simm.s32 $0x0;
	s1 =	simm.s32 $0x40;
	[tilespmem:s31+$0x0] =	vst v6  }
.LBB2_4:
0x57: {  	p1 =	sne.s32 s1, $0xFC0;
	[tilespmem:s5+$0x6000] =	vst v5;
	s5 =	smov.u32 s1;
	s1 =	sadd.s32 $0x40, s1  }
.Ltmp4:
0x58: {  	(pc) =	sbr.rel @p1 .LBB2_4-.Ltmp4, $2  }
0x59: {  	_ =	sdelay $0x2  }
0x5a: {  	s5 =	sshra.s32 s5, $0x2  }
.LBB2_5:
0x5b: {  	[tilespmem:s5+$0x6000] =	vst v5;
	s28 =	simm.s32 $0x0  }
.LBB2_6:
0x5c: {  	v6 =	vmov s28  }
0x5d: {  	v7 =	vmov s0;
	_ =	sdelay $0x3  }
0x5e: {  	[tilespmem:v6+s16+$0x0] =	vst.idx.msk $0x1, v7  }
0x5f: {  	v6 =	vld.idx.msk [tilespmem:v7+s17+$0x0], $0xffff  }
0x60: {  	v8 =	vld.idx.msk [tilespmem:v7+s19+$0x0], $0xffff  }
0x61: {  	v9 =	vld [tilespmem:s14+$0xFFFFFFE0]  }
0x62: {  	v10 =	vld [tilespmem:s13+$0xFFFFFFE0]  }
0x63: {  	v7 =	vld.idx.msk [tilespmem:v7+s18+$0x0], $0xffff  }
0x64: {  	v11 =	vld [tilespmem:s12+$0xFFFFFFE0];
	_ =	sdelay $0x2  }
0x65: {  	v9 =	vsub.f32 v9, v8;
	v10 =	vsub.f32 v10, v6;
	_ =	sdelay $0x1  }
0x66: {  	v11 =	vsub.f32 v11, v7;
	v9 =	vmul.f32 v9, v9;
	v10 =	vmul.f32 v10, v10  }
0x67: {  	s1 =	simm.s32 $0x6020  }
0x68: {  	v12 =	vld [tilespmem:s1+$0xFFFFFFE0];
	v11 =	vmul.f32 v11, v11;
	v9 =	vmin.f32 v9, $3.000000000e+00;
	v10 =	vmin.f32 v10, $3.000000000e+00  }
0x69: {  	v9 =	vadd.f32 v9, v10  }
0x6a: {  	v10 =	vmin.f32 v11, $3.000000000e+00  }
0x6b: {  	v9 =	vadd.f32 v9, v10;
	_ =	sdelay $0x1  }
0x6c: {  	v9 =	vmin.f32 v12, v9  }
0x6d: {  	[tilespmem:s1+$0xFFFFFFE0] =	vst v9  }
0x6e: {  	v10 =	vld [tilespmem:s14+$0xFFFFFFF0]  }
0x6f: {  	v11 =	vld [tilespmem:s13+$0xFFFFFFF0];
	_ =	sdelay $0x1  }
0x70: {  	v12 =	vld [tilespmem:s12+$0xFFFFFFF0];
	_ =	sdelay $0x2  }
0x71: {  	v10 =	vsub.f32 v10, v8;
	v11 =	vsub.f32 v11, v6;
	_ =	sdelay $0x1  }
0x72: {  	v12 =	vsub.f32 v12, v7;
	v11 =	vmul.f32 v11, v11;
	v10 =	vmul.f32 v10, v10;
	_ =	sdelay $0x1  }
0x73: {  	v13 =	vld [tilespmem:s1+$0xFFFFFFF0];
	v12 =	vmul.f32 v12, v12;
	v11 =	vmin.f32 v11, $3.000000000e+00;
	v10 =	vmin.f32 v10, $3.000000000e+00  }
0x74: {  	v10 =	vadd.f32 v10, v11  }
0x75: {  	v11 =	vmin.f32 v12, $3.000000000e+00  }
0x76: {  	v10 =	vadd.f32 v10, v11;
	_ =	sdelay $0x1  }
0x77: {  	v11 =	vmin.f32 v13, v10  }
0x78: {  	[tilespmem:s1+$0xFFFFFFF0] =	vst v11  }
0x79: {  	v10 =	vld [tilespmem:s13+$0x0]  }
0x7a: {  	v12 =	vld [tilespmem:s14+$0x0];
	_ =	sdelay $0x1  }
0x7b: {  	v13 =	vld [tilespmem:s12+$0x0];
	_ =	sdelay $0x2  }
0x7c: {  	v10 =	vsub.f32 v10, v6;
	v12 =	vsub.f32 v12, v8;
	_ =	sdelay $0x1  }
0x7d: {  	v13 =	vsub.f32 v13, v7;
	v10 =	vmul.f32 v10, v10;
	v12 =	vmul.f32 v12, v12;
	_ =	sdelay $0x1  }
0x7e: {  	v14 =	vld [tilespmem:s1+$0x0];
	v13 =	vmul.f32 v13, v13;
	v10 =	vmin.f32 v10, $3.000000000e+00;
	v12 =	vmin.f32 v12, $3.000000000e+00  }
0x7f: {  	v10 =	vadd.f32 v12, v10  }
0x80: {  	v12 =	vmin.f32 v13, $3.000000000e+00  }
0x81: {  	v10 =	vadd.f32 v10, v12;
	_ =	sdelay $0x1  }
0x82: {  	v12 =	vimm.f32 $-1.000000000e+00;
	v10 =	vmin.f32 v14, v10  }
0x83: {  	vm0 =	vgt.f32 v9, v12;
	[tilespmem:s1+$0x0] =	vst v10  }
0x84: {  	v9 =	vsel vm0, v9, v12;
	v12 =	vld [tilespmem:s13+$0x10]  }
0x85: {  	s31 =	simm.s32 $0x0;
	s29 =	simm.s32 $0x4;
	v13 =	vld [tilespmem:s14+$0x10]  }
0x86: {  	s0 =	sadd.s32 $0x40, s14;
	s23 =	sadd.s32 $0x40, s12;
	s24 =	sadd.s32 $0x40, s13;
	vm1 =	vgt.f32 v11, v9;
	v14 =	vld [tilespmem:s12+$0x10]  }
0x87: {  	s6 =	simm.s32 $0x6060;
	s7 =	simm.s32 $0x8;
	s30 =	simm.s32 $0x6060;
	v11 =	vsel vm1, v11, v9  }
0x88: {  	s8 =	sadd.s32 $0x40, s0;
	s5 =	smov.u32 s24;
	s25 =	smov.u32 s23;
	v9 =	vimm.s32 $0x0;
	vm2 =	vgt.f32 v10, v11  }
.LBB2_7:
0x89: {  	s23 =	sadd.s32 $0x40, s23;
	s24 =	sadd.s32 $0x40, s24;
	s6 =	sadd.s32 $0x40, s6  }
0x8a: {  	p1 =	slt.u32 s7, $0x3C;
	v12 =	vsub.f32 v12, v6;
	s9 =	smov.u32 s7;
	s7 =	sadd.s32 $0x4, s7;
	v13 =	vsub.f32 v13, v8  }
0x8b: {  	v14 =	vsub.f32 v14, v7  }
0x8c: {  	v12 =	vmul.f32 v12, v12;
	v13 =	vmul.f32 v13, v13  }
0x8d: {  	v14 =	vmul.f32 v14, v14;
	v15 =	vld [tilespmem:s1+$0x10]  }
0x8e: {  	v12 =	vmin.f32 v12, $3.000000000e+00;
	v13 =	vmin.f32 v13, $3.000000000e+00  }
0x8f: {  	v12 =	vadd.f32 v13, v12;
	v13 =	vmin.f32 v14, $3.000000000e+00;
	_ =	sdelay $0x1  }
0x90: {  	v9 =	vsel vm0, s31, v9;
	s10 =	sadd.s32 $0x1, s31;
	v12 =	vadd.f32 v12, v13  }
0x91: {  	v10 =	vsel vm2, v10, v11;
	v9 =	vsel vm1, s10, v9;
	s10 =	sadd.s32 $0x2, s31  }
0x92: {  	v9 =	vsel vm2, s10, v9;
	s10 =	sadd.s32 $0x3, s31;
	s31 =	smov.u32 s29;
	s29 =	smov.u32 s9;
	v11 =	vmin.f32 v15, v12  }
0x93: {  	[tilespmem:s1+$0x10] =	vst v11;
	vm0 =	vgt.f32 v11, v10;
	s1 =	smov.u32 s30;
	s30 =	smov.u32 s6  }
0x94: {  	v12 =	vld [tilespmem:s0+$0xFFFFFFE0];
	v10 =	vsel vm0, v11, v10;
	v9 =	vsel vm0, s10, v9  }
0x95: {  	v11 =	vld [tilespmem:s5+$0xFFFFFFE0];
	_ =	sdelay $0x1  }
0x96: {  	v13 =	vld [tilespmem:s25+$0xFFFFFFE0];
	_ =	sdelay $0x1  }
0x97: {  	v12 =	vsub.f32 v12, v8  }
0x98: {  	v11 =	vsub.f32 v11, v6  }
0x99: {  	v12 =	vmul.f32 v12, v12  }
0x9a: {  	v13 =	vsub.f32 v13, v7;
	v11 =	vmul.f32 v11, v11  }
0x9b: {  	v12 =	vmin.f32 v12, $3.000000000e+00  }
0x9c: {  	v11 =	vmin.f32 v11, $3.000000000e+00;
	v13 =	vmul.f32 v13, v13;
	v14 =	vld [tilespmem:s1+$0xFFFFFFE0]  }
0x9d: {  	v11 =	vadd.f32 v12, v11  }
0x9e: {  	v12 =	vmin.f32 v13, $3.000000000e+00  }
0x9f: {  	v11 =	vadd.f32 v11, v12;
	_ =	sdelay $0x1  }
0xa0: {  	v11 =	vmin.f32 v14, v11  }
0xa1: {  	[tilespmem:s1+$0xFFFFFFE0] =	vst v11;
	vm0 =	vgt.f32 v11, v10  }
0xa2: {  	v12 =	vld [tilespmem:s0+$0xFFFFFFF0]  }
0xa3: {  	v13 =	vld [tilespmem:s5+$0xFFFFFFF0];
	_ =	sdelay $0x1  }
0xa4: {  	v14 =	vld [tilespmem:s25+$0xFFFFFFF0];
	_ =	sdelay $0x1  }
0xa5: {  	v12 =	vsub.f32 v12, v8  }
0xa6: {  	v13 =	vsub.f32 v13, v6;
	_ =	sdelay $0x1  }
0xa7: {  	v12 =	vmul.f32 v12, v12;
	v14 =	vsub.f32 v14, v7;
	v13 =	vmul.f32 v13, v13;
	_ =	sdelay $0x1  }
0xa8: {  	v12 =	vmin.f32 v12, $3.000000000e+00;
	v13 =	vmin.f32 v13, $3.000000000e+00;
	v14 =	vmul.f32 v14, v14;
	v15 =	vld [tilespmem:s1+$0xFFFFFFF0]  }
0xa9: {  	v12 =	vadd.f32 v12, v13  }
0xaa: {  	v13 =	vmin.f32 v14, $3.000000000e+00  }
0xab: {  	v12 =	vadd.f32 v12, v13;
	_ =	sdelay $0x1  }
0xac: {  	v10 =	vsel vm0, v11, v10;
	v11 =	vmin.f32 v15, v12  }
0xad: {  	[tilespmem:s1+$0xFFFFFFF0] =	vst v11;
	vm1 =	vgt.f32 v11, v10  }
0xae: {  	v12 =	vld [tilespmem:s5+$0x0]  }
0xaf: {  	v13 =	vld [tilespmem:s0+$0x0];
	_ =	sdelay $0x1  }
0xb0: {  	v14 =	vld [tilespmem:s25+$0x0];
	_ =	sdelay $0x1  }
0xb1: {  	v12 =	vsub.f32 v12, v6  }
0xb2: {  	v13 =	vsub.f32 v13, v8  }
0xb3: {  	v12 =	vmul.f32 v12, v12  }
0xb4: {  	v14 =	vsub.f32 v14, v7;
	v13 =	vmul.f32 v13, v13;
	_ =	sdelay $0x1  }
0xb5: {  	v12 =	vmin.f32 v12, $3.000000000e+00;
	v13 =	vmin.f32 v13, $3.000000000e+00;
	v14 =	vmul.f32 v14, v14;
	v15 =	vld [tilespmem:s1+$0x0]  }
0xb6: {  	v12 =	vadd.f32 v13, v12  }
0xb7: {  	v13 =	vmin.f32 v14, $3.000000000e+00  }
0xb8: {  	v12 =	vadd.f32 v12, v13;
	_ =	sdelay $0x1  }
0xb9: {  	v11 =	vsel vm1, v11, v10;
	v10 =	vmin.f32 v15, v12  }
0xba: {  	[tilespmem:s1+$0x0] =	vst v10;
	vm2 =	vgt.f32 v10, v11  }
.Ltmp5:
0xbb: {  	v12 =	vld [tilespmem:s5+$0x10];
	s5 =	smov.u32 s24;
	(pc) =	sbr.rel @p1 .LBB2_7-.Ltmp5, $3  }
0xbc: {  	v13 =	vld [tilespmem:s0+$0x10];
	s0 =	smov.u32 s8  }
0xbd: {  	v14 =	vld [tilespmem:s25+$0x10];
	s25 =	smov.u32 s23;
	_ =	sdelay $0x1  }
0xbe: {  	s8 =	sadd.s32 $0x40, s8  }
0xbf: {  	_ = 	snop  }
0xc0: {  	v12 =	vsub.f32 v12, v6;
	v13 =	vsub.f32 v13, v8;
	_ =	sdelay $0x1  }
0xc1: {  	v14 =	vsub.f32 v14, v7;
	v12 =	vmul.f32 v12, v12;
	v13 =	vmul.f32 v13, v13;
	_ =	sdelay $0x1  }
0xc2: {  	v15 =	vld [tilespmem:s1+$0x10];
	v14 =	vmul.f32 v14, v14;
	v12 =	vmin.f32 v12, $3.000000000e+00;
	v13 =	vmin.f32 v13, $3.000000000e+00  }
0xc3: {  	v12 =	vadd.f32 v13, v12  }
0xc4: {  	v34 =	vmin.f32 v14, $3.000000000e+00  }
0xc5: {  	v12 =	vadd.f32 v12, v34;
	_ =	sdelay $0x1  }
0xc6: {  	v12 =	vmin.f32 v15, v12  }
0xc7: {  	[tilespmem:s1+$0x10] =	vst v12  }
0xc8: {  	v35 =	vld [tilespmem:s0+$0xFFFFFFE0]  }
0xc9: {  	v36 =	vld [tilespmem:s5+$0xFFFFFFE0];
	_ =	sdelay $0x1  }
0xca: {  	v37 =	vld [tilespmem:s25+$0xFFFFFFE0];
	_ =	sdelay $0x2  }
0xcb: {  	v13 =	vsub.f32 v35, v8;
	v14 =	vsub.f32 v36, v6;
	_ =	sdelay $0x1  }
0xcc: {  	v15 =	vsub.f32 v37, v7;
	v13 =	vmul.f32 v13, v13;
	v14 =	vmul.f32 v14, v14;
	_ =	sdelay $0x1  }
0xcd: {  	v16 =	vld [tilespmem:s30+$0xFFFFFFE0];
	v15 =	vmul.f32 v15, v15;
	v13 =	vmin.f32 v13, $3.000000000e+00;
	v14 =	vmin.f32 v14, $3.000000000e+00  }
0xce: {  	v13 =	vadd.f32 v13, v14  }
0xcf: {  	v38 =	vmin.f32 v15, $3.000000000e+00  }
0xd0: {  	v13 =	vadd.f32 v13, v38;
	_ =	sdelay $0x1  }
0xd1: {  	v13 =	vmin.f32 v16, v13  }
0xd2: {  	[tilespmem:s30+$0xFFFFFFE0] =	vst v13  }
0xd3: {  	v39 =	vld [tilespmem:s0+$0xFFFFFFF0]  }
0xd4: {  	v40 =	vld [tilespmem:s5+$0xFFFFFFF0];
	_ =	sdelay $0x1  }
0xd5: {  	v41 =	vld [tilespmem:s25+$0xFFFFFFF0];
	_ =	sdelay $0x2  }
0xd6: {  	v14 =	vsub.f32 v39, v8;
	v15 =	vsub.f32 v40, v6;
	_ =	sdelay $0x1  }
0xd7: {  	v16 =	vsub.f32 v41, v7;
	v15 =	vmul.f32 v15, v15;
	v14 =	vmul.f32 v14, v14;
	_ =	sdelay $0x1  }
0xd8: {  	v17 =	vld [tilespmem:s30+$0xFFFFFFF0];
	v16 =	vmul.f32 v16, v16;
	v15 =	vmin.f32 v15, $3.000000000e+00;
	v14 =	vmin.f32 v14, $3.000000000e+00  }
0xd9: {  	v14 =	vadd.f32 v14, v15  }
0xda: {  	v42 =	vmin.f32 v16, $3.000000000e+00  }
0xdb: {  	v14 =	vadd.f32 v14, v42;
	_ =	sdelay $0x1  }
0xdc: {  	v14 =	vmin.f32 v17, v14  }
0xdd: {  	[tilespmem:s30+$0xFFFFFFF0] =	vst v14  }
0xde: {  	v43 =	vld [tilespmem:s5+$0x0]  }
0xdf: {  	v44 =	vld [tilespmem:s0+$0x0];
	_ =	sdelay $0x1  }
0xe0: {  	v45 =	vld [tilespmem:s25+$0x0];
	_ =	sdelay $0x2  }
0xe1: {  	v15 =	vsub.f32 v43, v6;
	v16 =	vsub.f32 v44, v8;
	_ =	sdelay $0x1  }
0xe2: {  	v17 =	vsub.f32 v45, v7;
	v15 =	vmul.f32 v15, v15;
	v16 =	vmul.f32 v16, v16;
	_ =	sdelay $0x1  }
0xe3: {  	v18 =	vld [tilespmem:s30+$0x0];
	v17 =	vmul.f32 v17, v17;
	v15 =	vmin.f32 v15, $3.000000000e+00;
	v16 =	vmin.f32 v16, $3.000000000e+00  }
0xe4: {  	v15 =	vadd.f32 v16, v15  }
0xe5: {  	v46 =	vmin.f32 v17, $3.000000000e+00  }
0xe6: {  	v15 =	vadd.f32 v15, v46;
	_ =	sdelay $0x1  }
0xe7: {  	v15 =	vmin.f32 v18, v15  }
0xe8: {  	[tilespmem:s30+$0x0] =	vst v15  }
0xe9: {  	v47 =	vld [tilespmem:s5+$0x10]  }
0xea: {  	v48 =	vld [tilespmem:s0+$0x10];
	_ =	sdelay $0x1  }
0xeb: {  	v49 =	vld [tilespmem:s25+$0x10];
	_ =	sdelay $0x1  }
0xec: {  	v10 =	vsel vm2, v10, v11  }
0xed: {  	vm3 =	vgt.f32 v12, v10;
	v6 =	vsub.f32 v47, v6;
	v50 =	vsub.f32 v48, v8  }
0xee: {  	v10 =	vsel vm3, v12, v10  }
0xef: {  	v7 =	vsub.f32 v49, v7;
	v6 =	vmul.f32 v6, v6;
	v8 =	vmul.f32 v50, v50  }
0xf0: {  	v9 =	vsel vm0, s31, v9;
	vm8 =	vgt.f32 v13, v10  }
0xf1: {  	s8 =	sadd.s32 $0x1, s31;
	v51 =	vld [tilespmem:s30+$0x10];
	v7 =	vmul.f32 v7, v7;
	v6 =	vmin.f32 v6, $3.000000000e+00;
	v8 =	vmin.f32 v8, $3.000000000e+00  }
0xf2: {  	s9 =	sadd.s32 $0x2, s31;
	v9 =	vsel vm1, s8, v9;
	v10 =	vsel vm8, v13, v10;
	v6 =	vadd.f32 v8, v6  }
0xf3: {  	s10 =	sadd.s32 $0x3, s31;
	v52 =	vsel vm2, s9, v9;
	vm9 =	vgt.f32 v14, v10;
	v7 =	vmin.f32 v7, $3.000000000e+00  }
0xf4: {  	v53 =	vsel vm9, v14, v10;
	v8 =	vsel vm3, s10, v52;
	v6 =	vadd.f32 v6, v7  }
0xf5: {  	s23 =	sadd.s32 $0x1, s29;
	vm10 =	vgt.f32 v15, v53;
	v7 =	vsel vm8, s29, v8  }
0xf6: {  	s24 =	sadd.s32 $0x2, s29;
	v54 =	vsel vm10, v15, v53;
	v7 =	vsel vm9, s23, v7;
	v6 =	vmin.f32 v51, v6  }
0xf7: {  	s25 =	sadd.s32 $0x3, s29;
	v7 =	vsel vm10, s24, v7;
	vm11 =	vgt.f32 v6, v54  }
0xf8: {  	v7 =	vsel vm11, s25, v7  }
0xf9: {  	s29 =	sshll.u32 s28, $0xB;
	v7 =	vadd.s32 v2, v7  }
0xfa: {  	s0 =	sand.u32 $0x800, s29;
	[tilespmem:s30+$0x10] =	vst v6;
	v6 =	vsel vm11, v6, v54;
	v7 =	vshll.u32 v7, $0x4  }
0xfb: {  	s0 =	sadd.s32 s0, s4;
	[tilespmem:$0x7400] =	vst v6;
	v7 =	vor.u32 v0, v7  }
0xfc: {  	s30 =	sadd.s32 s20, s0;
	[tilespmem:$0x7410] =	vst v7  }
0xfd: {  	[spmem:s30] =	stream.linear.scatter [tilespmem:s21], [sflag:$0x1], $0x20, $0x38;
	[tilespmem:$0x7780] =	vst v63  }
0xfe: {  	_ =	swait.ge [sflag:s15], $0x20  }
0xff: {  	[sflag:s15] =	ssyncset.done $0x0  }
0x100: {  	[sflag:s15] =	ssyncadd.s32 $0xFFFFFFE0  }
0x101: {  	[bflag:$0x0] =	sbarrier.arrive $0xFFFF  }
0x102: {  	[tilespmem:s22], [sflag:$0x1] =	stream.linear.gather [spmem:s0], $0x80, $0x38;
	[tilespmem:$0x7780] =	vst v63  }
0x103: {  	_ =	swait.ge [sflag:s15], $0x80  }
0x104: {  	[sflag:s15] =	ssyncset.done $0x0  }
0x105: {  	[sflag:s15] =	ssyncadd.s32 $0xFFFFFF80  }
0x106: {  	v6 =	vld [tilespmem:$0x7480]  }
0x107: {  	v7 =	vld [tilespmem:$0x74A0]  }
0x108: {  	v55 =	vld [tilespmem:$0x74C0]  }
0x109: {  	v56 =	vld [tilespmem:$0x74E0];
	_ =	sdelay $0x4  }
0x10a: {  	v57 =	vmax.f32 v6, v7;
	v58 =	vmax.f32 v55, v56  }
0x10b: {  	v10 =	vmax.f32 v57, v58  }
0x10c: {  	(xrf0) =	vmax.scan.msk.f32 $0xffff, v10;
	_ =	sdelay $0x2  }
0x10d: {  	v59 =	vld [tilespmem:$0x7490]  }
0x10e: {  	v60 =	vld [tilespmem:$0x74B0]  }
0x10f: {  	v61 =	vld [tilespmem:$0x74D0]  }
0x110: {  	v63 =	vld [tilespmem:$0x74F0];
	v62, _, _ =	vpop (xrf0)  }
0x111: {  	v13 =	vbroadcast v62, $0xF;
	_ =	sdelay $0x1  }
0x112: {  	vm12 =	veq.f32 v6, v13;
	vm13 =	veq.f32 v7, v13  }
0x113: {  	vm14 =	veq.f32 v55, v13;
	vm15 =	veq.f32 v56, v13;
	v6 =	vnsel vm12, $0x40000000, v59  }
0x114: {  	v7 =	vnsel vm13, $0x40000000, v60;
	v8 =	vnsel vm14, $0x40000000, v61;
	v9 =	vnsel vm15, $0x40000000, v63  }
0x115: {  	vm0 =	vlt.s32 v6, v7;
	vm1 =	vlt.s32 v8, v9  }
0x116: {  	v6 =	vsel vm0, v6, v7;
	v7 =	vsel vm1, v8, v9  }
0x117: {  	vm0 =	vlt.s32 v6, v7  }
0x118: {  	v6 =	vsel vm0, v6, v7  }
0x119: {  	v6 =	vxor.u32 $0x80000000, v6  }
0x11a: {  	(xrf0) =	vmin.scan.msk.u32 $0xffff, v6;
	_ =	sdelay $0x5  }
0x11b: {  	v6, _, _ =	vpop (xrf0)  }
0x11c: {  	(v2sf) =	vpush v6, $0xF;
	_ =	sdelay $0x9  }
0x11d: {  	s28 =	sadd.s32 $0x1, s28  }
0x11e: {  	p1 =	sne.s32 s28, $0x400  }
.Ltmp6:
0x11f: {  	_ = 	snop;
	(pc) =	sbr.rel @p1 .LBB2_6-.Ltmp6, $3  }
0x120: {  	_ =	sdelay $0x1  }
0x121: {  	s31 =	spop (v2sf)  }
0x122: {  	s0 =	sxor.u32 $0x80000000, s31  }
.Ltmp7:
0x123: {  	(pc) =	sbr.rel @p0 .LBB2_13-.Ltmp7, $1  }
0x124: {  	_ =	sdelay $0x3  }
0x125: {  	s0 =	simm.s32 $0x0  }
0x126: {  	v6 =	vld [tilespmem:s0+$0x6400];
	_ =	sdelay $0x7  }
0x127: {  	v7 =	vld.idx.msk [tilespmem:v6+s17+$0x0], $0xffff;
	_ =	sdelay $0x4  }
0x128: {  	[tilespmem:s0+$0x6800] =	vst v7  }
0x129: {  	v7 =	vld.idx.msk [tilespmem:v6+s18+$0x0], $0xffff;
	_ =	sdelay $0x3  }
0x12a: {  	s5 =	simm.s32 $0x10;
	s1 =	simm.s32 $0x80  }
.LBB2_11:
0x12b: {  	p1 =	sne.s32 s1, $0xFC0;
	v8 =	vld [tilespmem:s5+$0x6400];
	[tilespmem:s0+$0x6C00] =	vst v7  }
0x12c: {  	v7 =	vld.idx.msk [tilespmem:v6+s19+$0x0], $0xffff;
	_ =	sdelay $0x3  }
0x12d: {  	v6 =	vmov v8;
	_ =	sdelay $0x1  }
0x12e: {  	[tilespmem:s0+$0x7000] =	vst v7;
	s0 =	smov.u32 s5  }
0x12f: {  	v7 =	vld.idx.msk [tilespmem:v8+s17+$0x0], $0xffff;
	_ =	sdelay $0x5  }
0x130: {  	[tilespmem:s0+$0x6800] =	vst v7  }
0x131: {  	v7 =	vld.idx.msk [tilespmem:v8+s18+$0x0], $0xffff  }
.Ltmp8:
0x132: {  	(pc) =	sbr.rel @p1 .LBB2_11-.Ltmp8, $2  }
0x133: {  	_ =	sdelay $0x2  }
0x134: {  	s5 =	sshra.s32 s1, $0x2;
	s1 =	sadd.s32 $0x40, s1  }
0x135: {  	_ =	sdelay $0x1  }
0x136: {  	v8 =	vld [tilespmem:s5+$0x6400]  }
0x137: {  	[tilespmem:s0+$0x6C00] =	vst v7  }
0x138: {  	v6 =	vld.idx.msk [tilespmem:v6+s19+$0x0], $0xffff;
	_ =	sdelay $0x4  }
0x139: {  	[tilespmem:s0+$0x7000] =	vst v6  }
0x13a: {  	v6 =	vld.idx.msk [tilespmem:v8+s17+$0x0], $0xffff;
	_ =	sdelay $0x4  }
0x13b: {  	[tilespmem:s5+$0x6800] =	vst v6  }
0x13c: {  	v6 =	vld.idx.msk [tilespmem:v8+s18+$0x0], $0xffff;
	_ =	sdelay $0x4  }
0x13d: {  	[tilespmem:s5+$0x6C00] =	vst v6  }
0x13e: {  	v6 =	vld.idx.msk [tilespmem:v8+s19+$0x0], $0xffff;
	_ =	sdelay $0x4  }
0x13f: {  	s10 =	rddreg [dreg:$0x4];
	[tilespmem:s5+$0x7000] =	vst v6  }
0x140: {  	[hbm4b:s10+s2] =	stream.linear.scatter [tilespmem:s17], [sflag:$0x1], $0x1000, $0x38;
	[tilespmem:$0x7780] =	vst v63  }
0x141: {  	_ =	swait.ge [sflag:s15], $0x1000  }
0x142: {  	[sflag:s15] =	ssyncset.done $0x0  }
0x143: {  	s1 =	simm.s32 $0x6800;
	s23 =	rddreg [dreg:$0x5];
	[sflag:s15] =	ssyncadd.s32 $0xFFFFF000  }
0x144: {  	[hbm4b:s23+s2] =	stream.linear.scatter [tilespmem:s1], [sflag:$0x1], $0x400, $0x38;
	[tilespmem:$0x7780] =	vst v63  }
0x145: {  	_ =	swait.ge [sflag:s15], $0x400  }
0x146: {  	[sflag:s15] =	ssyncset.done $0x0  }
0x147: {  	s24 =	rddreg [dreg:$0x6];
	[sflag:s15] =	ssyncadd.s32 $0xFFFFFC00  }
0x148: {  	[hbm4b:s24+s2] =	stream.linear.scatter [tilespmem:s18], [sflag:$0x1], $0x1000, $0x38;
	[tilespmem:$0x7780] =	vst v63  }
0x149: {  	_ =	swait.ge [sflag:s15], $0x1000  }
0x14a: {  	[sflag:s15] =	ssyncset.done $0x0  }
0x14b: {  	s28 =	simm.s32 $0x6C00;
	s25 =	rddreg [dreg:$0x7];
	[sflag:s15] =	ssyncadd.s32 $0xFFFFF000  }
0x14c: {  	[hbm4b:s25+s2] =	stream.linear.scatter [tilespmem:s28], [sflag:$0x1], $0x400, $0x38;
	[tilespmem:$0x7780] =	vst v63  }
0x14d: {  	_ =	swait.ge [sflag:s15], $0x400  }
0x14e: {  	[sflag:s15] =	ssyncset.done $0x0  }
0x14f: {  	s29 =	rddreg [dreg:$0x8];
	[sflag:s15] =	ssyncadd.s32 $0xFFFFFC00  }
0x150: {  	[hbm4b:s29+s2] =	stream.linear.scatter [tilespmem:s19], [sflag:$0x1], $0x1000, $0x38;
	[tilespmem:$0x7780] =	vst v63  }
0x151: {  	_ =	swait.ge [sflag:s15], $0x1000  }
0x152: {  	s31 =	simm.s32 $0x7000;
	[sflag:s15] =	ssyncset.done $0x0  }
.Ltmp9:
0x153: {  	s30 =	rddreg [dreg:$0x9];
	[sflag:s15] =	ssyncadd.s32 $0xFFFFF000;
	(pc) =	sbr.rel .LBB2_13-.Ltmp9, $4  }
0x154: {  	[hbm4b:s30+s2] =	stream.linear.scatter [tilespmem:s31], [sflag:$0x1], $0x400, $0x38;
	[tilespmem:$0x7780] =	vst v63  }
0x155: {  	_ =	swait.ge [sflag:s15], $0x400  }
0x156: {  	[sflag:s15] =	ssyncset.done $0x0  }
0x157: {  	[sflag:s15] =	ssyncadd.s32 $0xFFFFFC00  }
.LBB2_14:
0x158: {  	_ =	sfence.sel $0x180000  }
0x159: {  	[bflag:$0x0] =	sbarrier.arrive $0xFFFF  }
0x15a: {  	_ =	strace $0x90000047  }
0x15b: {  	s0 =	stileid.u32;
	[bflag:$0x2] =	sbarrier.arrive $0xFFFF  }
0x15c: {  	p0 =	sne.s32 s0, $0x0;
	s0 =	rddreg [dreg:$0x3]  }
0x15d: {  	s0 =	sadd.s32 @!p0 $0x100000, s0  }
0x15e: {  	[sflag:s0] =	ssyncadd.tile.s32 @!p0 $0x1;
	_ =	shalt  }
.Lfunc_end2:
_tile_overlayer_lowered:
.L_overlay_start_2:
0x15f: {  	(tag) =	ssettag $0x2  }
0x160: {  	s0 =	rddreg [dreg:$0x0];
	s2 =	stileid.u32  }
0x161: {  	s1 =	rddreg [dreg:$0x1];
	p0 =	sne.s32 s2, $0x0  }
0x162: {  	s3 =	rddreg [dreg:$0x2];
	[bflag:$0x3] =	sbarrier.arrive $0xFFFF;
	s2 =	simm.s32 @!p0 $0x1C01  }
0x163: {  	[timem:s3], [sflag:s2] =	dma.local @!p0 [hbm:s0], s1  }
0x164: {  	s0 =	simm.s32 @!p0 $0x1  }
0x165: {  	_ =	swait.ge @!p0 [sflag:s0], s1  }
0x166: {  	s1 =	ssub.s32 @!p0 $0x0, s1;
	[sflag:s0] =	ssyncset.done @!p0 $0x0  }
0x167: {  	[sflag:s0] =	ssyncadd.s32 @!p0 s1  }
0x168: {  	[bflag:$0x3] =	sbarrier.arrive $0xFFFF  }
0x169: {  	_ =	shalt  }

// kernel: kernel.8.cloned.1.call-start
scs
__scs_entry_jumppad:
0x0: {  	(pc) =	sbr.rel $0x88, $3  }
0x1: {  	(tag) =	ssettag $0x0;
	lr =	simm.s32 $0x1  }
0x2: {  	[smem:$0x3F9E] =	sst lr;
	_ =	strace $0xD0000000  }
0x3: {  	_ = 	snop  }
0x4: {  	_ = 	snop  }
0x5: {  	_ = 	snop  }
0x6: {  	_ = 	snop  }
0x7: {  	_ = 	snop  }
__scs_overlays_trampoline_lowered:
0x8: {  	[smem:$0x3FAD] =	sst s0  }
0x9: {  	[smem:$0x3FAE] =	sst s1  }
0xa: {  	[smem:$0x3FAF] =	sst s2  }
0xb: {  	[smem:$0x3FB0] =	sst s3  }
0xc: {  	[smem:$0x3FB1] =	sst s4  }
0xd: {  	[smem:$0x3FB2] =	sst s5  }
0xe: {  	[smem:$0x3FB3] =	sst s6  }
0xf: {  	[smem:$0x3FB4] =	sst s7  }
0x10: {  	[smem:$0x3FB5] =	sst s8  }
0x11: {  	[smem:$0x3FB6] =	sst s9;
	s0 =	simm.s32 @!p0 $0x0  }
0x12: {  	s1 =	sld [smem:$0x3F9C];
	s0 =	simm.s32 @p0 $0x1  }
0x13: {  	[smem:$0x3FB7] =	sst s0;
	s0 =	simm.s32 @!p1 $0x0  }
0x14: {  	s2 =	sld [smem:$0x3F9B];
	s0 =	simm.s32 @p1 $0x1  }
0x15: {  	[smem:$0x3FB8] =	sst s0;
	s0 =	simm.s32 @!p2 $0x0  }
0x16: {  	s3 =	sld [smem:$0x3FDB];
	s0 =	simm.s32 @p2 $0x1  }
0x17: {  	s4 =	simm.s32 $0x1BF5;
	[smem:$0x3FBA] =	sst s0  }
0x18: {  	s0 =	sld [smem:$0x3F9D];
	_ =	swait.ge [sflag:s4], $0x0  }
0x19: {  	s7 =	sld [smem:$0x3F9E]  }
0x1a: {  	s8 =	sadd.s32 $0xFFFFE003, lr  }
0x1b: {  	s9 =	sadd.s32 $0xFFFFFEF7, lr;
	s5 =	simm.s32 $0xFFFFFFFF;
	p2 =	slt.u32 s8, $0xFFFFF086  }
0x1c: {  	p1 =	slt.u32 s9, $0xF7A;
	s5 =	simm.s32 @!p2 $0x0  }
0x1d: {  	s5 =	simm.s32 @p1 $0x1;
	p0 =	seq.s32 s7, s2  }
0x1e: {  	s7 =	smul.u32 @!p0 $0xF7A, s2;
	p2 =	seq.s32 @!p0 s5, $0x0  }
0x1f: {  	s9 =	smul.u32 $0xF7A, s1;
	s8 =	simm.s32 @!p0 $0x1BF5;
	p2 =	por !p2, p0  }
0x20: {  	[sflag:s8] =	ssyncset.s32 @!p0 $0xFFFFF086;
	s6 =	sadd.s32 @!p0 s3, s7;
	s7 =	simm.s32 @!p0 $0x108  }
0x21: {  	s3 =	sadd.s32 s3, s9;
	s6 =	sadd.s32 @!p0 $0x88, s6;
	s7 =	simm.s32 @p2 $0x1082  }
0x22: {  	[simem:s7], [sflag:s8] =	dma.local @!p0 [hbm:s6], $0xF7A  }
0x23: {  	s9 =	sor.u32 $0xD0000000, s2;
	s6 =	simm.s32 $0x108;
	_ =	swait.ge @!p0 [sflag:s8], $0x0  }
0x24: {  	s3 =	sadd.s32 $0x88, s3;
	s6 =	simm.s32 @!p1 $0x1082;
	[sflag:s4] =	ssyncset.s32 $0xFFFFF086  }
0x25: {  	[simem:s6], [sflag:s4] =	dma.local [hbm:s3], $0xF7A  }
0x26: {  	[smem:$0x3F9E] =	sst s1;
	(tag) =	ssettag s2;
	_ =	strace s9  }
0x27: {  	s1 =	sld [smem:$0x3FAE]  }
0x28: {  	s2 =	sld [smem:$0x3FAF]  }
0x29: {  	s4 =	sld [smem:$0x3FB1]  }
0x2a: {  	p0 =	seq.s32 s5, $0x0;
	s5 =	sld [smem:$0x3FB2]  }
0x2b: {  	s6 =	sld [smem:$0x3FB3]  }
0x2c: {  	s7 =	sld [smem:$0x3FB4]  }
0x2d: {  	s3 =	simm.s32 $0x108;
	s8 =	sld [smem:$0x3FB5]  }
0x2e: {  	s3 =	simm.s32 @!p0 $0x1082;
	s9 =	sld [smem:$0x3FB6]  }
0x2f: {  	lr =	sadd.s32 s0, s3;
	s0 =	sld [smem:$0x3FAD]  }
0x30: {  	s3 =	sld [smem:$0x3FB0]  }
0x31: {  	[smem:$0x3FB9] =	sst s10  }
0x32: {  	s10 =	sld [smem:$0x3FB7];
	_ =	sdelay $0x3  }
0x33: {  	p0 =	seq.s32 s10, $0x1;
	s10 =	sld [smem:$0x3FB9];
	_ =	sdelay $0x3  }
0x34: {  	[smem:$0x3FB9] =	sst s10  }
0x35: {  	s10 =	sld [smem:$0x3FB8];
	_ =	sdelay $0x3  }
0x36: {  	p1 =	seq.s32 s10, $0x1;
	s10 =	sld [smem:$0x3FB9];
	_ =	sdelay $0x3  }
0x37: {  	[smem:$0x3FB9] =	sst s10  }
0x38: {  	s10 =	sld [smem:$0x3FBA]  }
0x39: {  	_ = 	snop;
	(pc) =	sbr.ind lr, $3  }
0x3a: {  	_ = 	snop  }
0x3b: {  	_ = 	snop  }
0x3c: {  	p2 =	seq.s32 s10, $0x1;
	s10 =	sld [smem:$0x3FB9]  }
0x3d: {  	_ =	shalt  }
0x3e: {  	_ =	shalt  }
0x3f: {  	_ =	shalt  }
0x40: {  	_ =	shalt  }
0x41: {  	_ =	shalt  }
0x42: {  	_ =	shalt  }
0x43: {  	_ =	shalt  }
0x44: {  	_ =	shalt  }
0x45: {  	_ =	shalt  }
0x46: {  	_ =	shalt  }
0x47: {  	_ =	shalt  }
0x48: {  	_ =	shalt  }
0x49: {  	_ =	shalt  }
0x4a: {  	_ =	shalt  }
0x4b: {  	_ =	shalt  }
0x4c: {  	_ =	shalt  }
0x4d: {  	_ =	shalt  }
0x4e: {  	_ =	shalt  }
0x4f: {  	_ =	shalt  }
0x50: {  	_ =	shalt  }
0x51: {  	_ =	shalt  }
0x52: {  	_ =	shalt  }
0x53: {  	_ =	shalt  }
0x54: {  	_ =	shalt  }
0x55: {  	_ =	shalt  }
0x56: {  	_ =	shalt  }
0x57: {  	_ =	shalt  }
0x58: {  	_ =	shalt  }
0x59: {  	_ =	shalt  }
0x5a: {  	_ =	shalt  }
0x5b: {  	_ =	shalt  }
0x5c: {  	_ =	shalt  }
0x5d: {  	_ =	shalt  }
0x5e: {  	_ =	shalt  }
0x5f: {  	_ =	shalt  }
0x60: {  	_ =	shalt  }
0x61: {  	_ =	shalt  }
0x62: {  	_ =	shalt  }
0x63: {  	_ =	shalt  }
0x64: {  	_ =	shalt  }
0x65: {  	_ =	shalt  }
0x66: {  	_ =	shalt  }
0x67: {  	_ =	shalt  }
0x68: {  	_ =	shalt  }
0x69: {  	_ =	shalt  }
0x6a: {  	_ =	shalt  }
0x6b: {  	_ =	shalt  }
0x6c: {  	_ =	shalt  }
0x6d: {  	_ =	shalt  }
0x6e: {  	_ =	shalt  }
0x6f: {  	_ =	shalt  }
0x70: {  	_ =	shalt  }
0x71: {  	_ =	shalt  }
0x72: {  	_ =	shalt  }
0x73: {  	_ =	shalt  }
0x74: {  	_ =	shalt  }
0x75: {  	_ =	shalt  }
0x76: {  	_ =	shalt  }
0x77: {  	_ =	shalt  }
0x78: {  	_ =	shalt  }
0x79: {  	_ =	shalt  }
0x7a: {  	_ =	shalt  }
0x7b: {  	_ =	shalt  }
0x7c: {  	_ =	shalt  }
0x7d: {  	_ =	shalt  }
0x7e: {  	_ =	shalt  }
0x7f: {  	_ =	shalt  }
0x80: {  	_ =	shalt  }
0x81: {  	_ =	shalt  }
0x82: {  	_ =	shalt  }
0x83: {  	_ =	shalt  }
0x84: {  	_ =	shalt  }
0x85: {  	_ =	shalt  }
0x86: {  	_ =	shalt  }
0x87: {  	_ =	shalt  }
.Lfunc_end0:
.L_simem_size_0:
called_computation.1_lowered:
.L_overlay_start_0:
0x88: {  	s2 =	sld [smem:$0x3FD9]  }
0x89: {  	s3 =	sld [smem:$0x3FFE];
	_ =	sdelay $0x1  }
0x8a: {  	s1 =	srdreg.scid  }
0x8b: {  	s0 =	sand.u32 $0x1, s1  }
0x8c: {  	s16 =	sshll.u32 s0, $0xA;
	s2 =	sadd.s32 s3, s2  }
0x8d: {  	s2 =	sadd.s32 s2, s16  }
0x8e: {  	[smem:$0x3FC5] =	sst s2  }
0x8f: {  	_ = 	snop  }
0x90: {  	(tm) =	ssettm $0x1  }
0x91: {  	s17 =	sld [smem:$0x3FFB];
	_ =	sdelay $0x3  }
0x92: {  	_ =	strace s17  }
0x93: {  	s2 =	sld [smem:$0x3FFC];
	_ =	sdelay $0x3  }
0x94: {  	_ =	strace s2  }
0x95: {  	s2 =	sld [smem:$0x3FFD];
	_ =	sdelay $0x3  }
0x96: {  	_ =	strace s2  }
0x97: {  	_ =	strace $0x8FFFFFFF  }
0x98: {  	s18 =	sld [smem:$0x3FDB];
	_ =	sdelay $0x1  }
0x99: {  	s19 =	simm.s32 $_scs_section_size  }
0x9a: {  	s4 =	simm.s32 $_size__tile_overlayer_lowered;
	s5 =	simm.s32 $_tile_overlayer_lowered  }
0x9b: {  	s22 =	simm.s32 $0x1BFF;
	s21 =	sshll.u32 s5, $0x1;
	s2 =	sadd.s32 s19, s18  }
0x9c: {  	s6 =	simm.s32 $0x0;
	s20 =	sshll.u32 s4, $0x1;
	s4 =	sadd.s32 s21, s2  }
0x9d: {  	[timem:s6], [sflag:s22] =	dma.local [hbm:s4], s20  }
0x9e: {  	_ =	swait.ge [sflag:s22], s20  }
0x9f: {  	s3 =	ssub.s32 $0x0, s20;
	[sflag:s22] =	ssyncset.done $0x0  }
0xa0: {  	[sflag:s22] =	ssyncadd.s32 s3;
	_ =	sdelay $0x1  }
0xa1: {  	s23 =	simm.s32 $0x1B8B  }
0xa2: {  	_ =	swait.ge [sflag:s23], $0x1  }
0xa3: {  	[sflag:s23] =	ssyncset.done $0x0  }
0xa4: {  	s25 =	simm.s32 $0x1B8E;
	s24 =	sld [smem:$0x3FFE];
	[sflag:s23] =	ssyncadd.s32 $0xFFFFFFFF  }
0xa5: {  	s26 =	simm.s32 $execute0_lowered;
	[smem:$0x3FD2] =	sst s25  }
0xa6: {  	s4 =	sshll.u32 s26, $0x1;
	_ =	strace $0x80000049;
	[dreg:$0x1] =	wrdreg $0xFFFFFFFF  }
0xa7: {  	s28 =	simm.s32 $_size_execute0_lowered;
	s2 =	sadd.s32 s2, s4;
	[dreg:$0x0] =	wrdreg $0x0  }
0xa8: {  	s4 =	sshll.u32 s28, $0x1;
	[dreg:$0x2] =	wrdreg s2  }
0xa9: {  	[dreg:$0x3] =	wrdreg s4  }
0xaa: {  	[dreg:$0x4] =	wrdreg $0xC0  }
0xab: {  	_ =	task [dreg:s6], $0x5FFFF  }
0xac: {  	[dreg:$0x1] =	wrdreg $0xFFFFFFFF  }
0xad: {  	[dreg:$0x0] =	wrdreg $0x60  }
0xae: {  	[dreg:$0x2] =	wrdreg s24  }
0xaf: {  	[dreg:$0x3] =	wrdreg $0x9  }
0xb0: {  	_ =	task.clear_ibuf [dreg:s6], $0x4FFFF;
	_ =	strace $0x90000049  }
0xb1: {  	s29 =	simm.s32 $0x9;
	_ =	strace $0x8000004B  }
0xb2: {  	_ =	swait.ge [sflag:s29], $0x1  }
0xb3: {  	[sflag:s29] =	ssyncadd.s32 $0xFFFFFFFF  }
0xb4: {  	_ =	strace $0x9000004B  }
0xb5: {  	_ =	sfence  }
0xb6: {  	s30 =	sld [smem:$0x0];
	_ =	sdelay $0x2  }
0xb7: {  	s31 =	sshll.u32 s1, $0xD;
	s1 =	sshrl.u32 s1, $0x2  }
0xb8: {  	s3 =	sand.u32 $0x4000, s31;
	s1 =	sadd.s32 s1, s30  }
0xb9: {  	s0 =	sor.u32 s3, s0;
	s1 =	sshll.u32 s1, $0x11  }
0xba: {  	s0 =	sor.u32 s1, s0  }
0xbb: {  	s0 =	sadd.s32 $0x8F2B, s0  }
0xbc: {  	[sflag:s0] =	ssyncadd.remote.s32 $0x1  }
0xbd: {  	_ =	sfence.sel $0xFFFF  }
0xbe: {  	[dreg:$0x0] =	wrdreg $0xFFFFFFFF;
	(pc) =	sbr.abs _section_cstart, $3  }
0xbf: {  	[dreg:$0x1] =	wrdreg $0xFFFFFFFF  }
0xc0: {  	_ =	task.clear_ibuf [dreg:s6], $0x2FFFF;
	_ =	strace $0x9FFFFFFF  }
0xc1: {  	(tm) =	ssettm $0x7FFFFFFF  }
tec
execute0_lowered:
.L_overlay_start_1:
0x0: {  	(tag) =	ssettag $0x1  }
0x1: {  	s7 =	rddreg [dreg:$0x0]  }
0x2: {  	s0 =	rddreg [dreg:$0x1];
	s3 =	srdreg.scid  }
0x3: {  	s1 =	stileid.u32;
	s2 =	simm.s32 $0x0;
	s10 =	simm.s32 $0x1  }
0x4: {  	s11 =	simm.s32 $0x1000;
	s12 =	simm.s32 $0x2000;
	s13 =	simm.s32 $0x3000  }
0x5: {  	s14 =	simm.s32 $0x3080;
	s15 =	simm.s32 $0x3100;
	s16 =	simm.s32 $0x3180  }
0x6: {  	s17 =	simm.s32 $0x3280;
	s18 =	simm.s32 $0x3380;
	s19 =	simm.s32 $0x3480  }
0x7: {  	s20 =	simm.s32 $0x400;
	s4 =	sand.u32 $0x1, s3;
	s3 =	sshll.u32 s1, $0x1  }
0x8: {  	v4 =	vlaneseq.u32;
	s21 =	simm.s32 $0x0;
	[smem:$0x7FF] =	sst s2;
	s5 =	sor.u32 s4, s3  }
0x9: {  	s6 =	sadd.s32 $0x4200, s7;
	v0 =	vmul.u32 $0x80, v4;
	s8 =	ssub.s32 $0x2, s4;
	s5 =	sshll.u32 s5, $0x7  }
0xa: {  	v1 =	vadd.s32 $0x1, v4;
	_ =	strace $0x8000004A;
	s9 =	sshrl.u32 s8, $0x1;
	s5 =	sand.u32 $0x380, s5  }
0xb: {  	v4 =	vadd.s32 $0x11, v4;
	s4 =	sadd.s32 $0x1200, s7;
	v2 =	vor.u32 $0x1000, v0;
	v3 =	vor.u32 $0x2000, v0;
	s9 =	ssub.s32 s8, s9;
	s7 =	sadd.s32 s5, s7  }
0xc: {  	v5 =	vor.u32 $0x800, v0;
	v6 =	vor.u32 $0x1800, v0;
	v7 =	vor.u32 $0x2800, v0;
	s8 =	sand.u32 $0x4, s1;
	s9 =	smax.u32 s9, $0x1;
	s7 =	sadd.s32 $0x4E00, s7  }
.LBB2_1:
0xd: {  	s22 =	simm.s32 $0x0  }
.LBB2_2:
0xe: {  	s23 =	sshll.u32 s22, $0x5  }
0xf: {  	s24 =	sor.u32 s3, s23  }
0x10: {  	s23 =	sshrl.u32 s24, $0x4  }
0x11: {  	s25 =	sadd.s32 $0x1, s23  }
0x12: {  	s25 =	smulhi.u32 $0x55555556, s25  }
0x13: {  	s23 =	sadd.s32 s23, s8  }
0x14: {  	s23 =	sshll.u32 s23, $0xC;
	s26 =	sshll.u32 s25, $0xD  }
0x15: {  	s26 =	ssub.s32 s23, s26  }
0x16: {  	s23 =	sshrl.u32 s26, $0x3  }
0x17: {  	s28 =	sadd.s32 s4, s23;
	s23 =	simm.s32 $0x0  }
0x18: {  	[tilespmem:s23], [sflag:$0x1] =	stream.linear.gather [hbm4b:s28+s23], $0x1000, $0x38;
	[tilespmem:$0x6480] =	vst v63  }
0x19: {  	s29 =	sadd.s32 $0x8000, s26;
	_ =	swait.ge [sflag:s10], $0x1000  }
0x1a: {  	s28 =	sshrl.u32 s29, $0x3;
	[sflag:s10] =	ssyncset.done $0x0  }
0x1b: {  	s28 =	sadd.s32 s4, s28;
	[sflag:s10] =	ssyncadd.s32 $0xFFFFF000  }
0x1c: {  	[tilespmem:s11], [sflag:$0x1] =	stream.linear.gather [hbm4b:s28+s23], $0x1000, $0x38;
	[tilespmem:$0x6480] =	vst v63  }
0x1d: {  	s26 =	sadd.s32 $0x10000, s26;
	_ =	swait.ge [sflag:s10], $0x1000  }
0x1e: {  	s25 =	sadd.s32 s25, s8;
	s26 =	sshrl.u32 s26, $0x3;
	[sflag:s10] =	ssyncset.done $0x0  }
0x1f: {  	s25 =	sshll.u32 s25, $0xA;
	s26 =	sadd.s32 s4, s26;
	[sflag:s10] =	ssyncadd.s32 $0xFFFFF000  }
0x20: {  	[tilespmem:s12], [sflag:$0x1] =	stream.linear.gather [hbm4b:s26+s23], $0x1000, $0x38;
	[tilespmem:$0x6480] =	vst v63  }
0x21: {  	s25 =	sor.u32 s5, s25;
	_ =	swait.ge [sflag:s10], $0x1000  }
0x22: {  	s30 =	sshrl.u32 s25, $0x3;
	[sflag:s10] =	ssyncset.done $0x0  }
0x23: {  	s26 =	sadd.s32 s6, s30;
	[sflag:s10] =	ssyncadd.s32 $0xFFFFF000  }
0x24: {  	[tilespmem:s13], [sflag:$0x1] =	stream.linear.gather [hbm4b:s26+s23], $0x80, $0x38;
	[tilespmem:$0x6480] =	vst v63  }
0x25: {  	s31 =	sadd.s32 $0x2000, s25;
	_ =	swait.ge [sflag:s10], $0x80  }
0x26: {  	s26 =	sshrl.u32 s31, $0x3;
	[sflag:s10] =	ssyncset.done $0x0  }
0x27: {  	s26 =	sadd.s32 s6, s26;
	[sflag:s10] =	ssyncadd.s32 $0xFFFFFF80  }
0x28: {  	[tilespmem:s14], [sflag:$0x1] =	stream.linear.gather [hbm4b:s26+s23], $0x80, $0x38;
	[tilespmem:$0x6480] =	vst v63  }
0x29: {  	s25 =	sadd.s32 $0x4000, s25;
	_ =	swait.ge [sflag:s10], $0x80  }
0x2a: {  	s25 =	sshrl.u32 s25, $0x3;
	[sflag:s10] =	ssyncset.done $0x0  }
0x2b: {  	s25 =	sadd.s32 s6, s25;
	[sflag:s10] =	ssyncadd.s32 $0xFFFFFF80  }
0x2c: {  	[tilespmem:s15], [sflag:$0x1] =	stream.linear.gather [hbm4b:s25+s23], $0x80, $0x38;
	[tilespmem:$0x6480] =	vst v63  }
0x2d: {  	_ =	swait.ge [sflag:s10], $0x80  }
0x2e: {  	[sflag:s10] =	ssyncset.done $0x0  }
0x2f: {  	s24 =	sshrl.u32 s24, $0x3;
	[sflag:s10] =	ssyncadd.s32 $0xFFFFFF80  }
.LBB2_3:
0x30: {  	v8 =	vmov s23;
	_ =	sdelay $0x4  }
0x31: {  	v11 =	vld.idx.msk [tilespmem:v8+s13+$0x0], $0xffff  }
0x32: {  	s25 =	simm.s32 $0x40;
	s26 =	simm.s32 $0x1040;
	v10 =	vld.idx.msk [tilespmem:v8+s14+$0x0], $0xffff  }
0x33: {  	s28 =	simm.s32 $0x2040;
	s29 =	simm.s32 $0x0;
	s30 =	simm.s32 $0x0;
	v9 =	vld.idx.msk [tilespmem:v8+s15+$0x0], $0xffff  }
.LBB2_4:
0x34: {  	v12 =	vld [tilespmem:s25+$0xFFFFFFC0]  }
0x35: {  	v13 =	vld [tilespmem:s26+$0xFFFFFFC0];
	_ =	sdelay $0x1  }
0x36: {  	v14 =	vld [tilespmem:s28+$0xFFFFFFC0];
	_ =	sdelay $0x2  }
0x37: {  	v12 =	vsub.f32 v12, v11;
	v13 =	vsub.f32 v13, v10;
	_ =	sdelay $0x1  }
0x38: {  	v14 =	vsub.f32 v14, v9;
	v15 =	vmul.f32 v12, v12;
	v16 =	vmul.f32 v13, v13;
	_ =	sdelay $0x1  }
0x39: {  	v17 =	vmul.f32 v14, v14;
	v15 =	vmin.f32 v15, $3.000000000e+00;
	v16 =	vmin.f32 v16, $3.000000000e+00  }
0x3a: {  	v15 =	vadd.f32 v16, v15  }
0x3b: {  	v22 =	vmin.f32 v17, $3.000000000e+00  }
0x3c: {  	v15 =	vadd.f32 v22, v15;
	_ =	sdelay $0x1  }
0x3d: {  	vm0 =	vlt.f32 v15, $9.000000350e-02  }
0x3e: {  	[tilespmem:s30+$0x3180] =	vst.msk vm0, v12;
	v23 =	vmpcnt.ones.xlane vm0  }
0x3f: {  	[tilespmem:s30+$0x3280] =	vst.msk vm0, v13  }
0x40: {  	[tilespmem:s30+$0x3380] =	vst.msk vm0, v14;
	(v2sf) =	vpush v23, $0x0  }
0x41: {  	v24 =	vld [tilespmem:s25+$0xFFFFFFD0]  }
0x42: {  	v13 =	vld [tilespmem:s26+$0xFFFFFFD0];
	_ =	sdelay $0x1  }
0x43: {  	v14 =	vld [tilespmem:s28+$0xFFFFFFD0];
	_ =	sdelay $0x2  }
0x44: {  	v12 =	vsub.f32 v24, v11;
	v13 =	vsub.f32 v13, v10;
	_ =	sdelay $0x1  }
0x45: {  	v14 =	vsub.f32 v14, v9;
	v25 =	vmul.f32 v12, v12;
	v26 =	vmul.f32 v13, v13;
	_ =	sdelay $0x1  }
0x46: {  	v27 =	vmul.f32 v14, v14;
	v15 =	vmin.f32 v25, $3.000000000e+00;
	v16 =	vmin.f32 v26, $3.000000000e+00  }
0x47: {  	v15 =	vadd.f32 v16, v15  }
0x48: {  	v28 =	vmin.f32 v27, $3.000000000e+00  }
0x49: {  	v15 =	vadd.f32 v28, v15  }
0x4a: {  	s31 =	spop (v2sf)  }
0x4b: {  	vm9 =	vlt.f32 v15, $9.000000350e-02;
	s30 =	sadd.s32 s30, s31  }
0x4c: {  	v29 =	vmpcnt.ones.xlane vm9;
	[tilespmem:s30+$0x3180] =	vst.msk vm9, v12  }
0x4d: {  	[tilespmem:s30+$0x3280] =	vst.msk vm9, v13  }
0x4e: {  	(v2sf) =	vpush v29, $0x0;
	[tilespmem:s30+$0x3380] =	vst.msk vm9, v14  }
0x4f: {  	v30 =	vld [tilespmem:s25+$0xFFFFFFE0]  }
0x50: {  	v13 =	vld [tilespmem:s26+$0xFFFFFFE0];
	_ =	sdelay $0x1  }
0x51: {  	v14 =	vld [tilespmem:s28+$0xFFFFFFE0];
	_ =	sdelay $0x2  }
0x52: {  	v12 =	vsub.f32 v30, v11;
	v13 =	vsub.f32 v13, v10;
	_ =	sdelay $0x1  }
0x53: {  	v14 =	vsub.f32 v14, v9;
	v31 =	vmul.f32 v12, v12;
	v32 =	vmul.f32 v13, v13;
	_ =	sdelay $0x1  }
0x54: {  	v33 =	vmul.f32 v14, v14;
	v15 =	vmin.f32 v31, $3.000000000e+00;
	v16 =	vmin.f32 v32, $3.000000000e+00  }
0x55: {  	v15 =	vadd.f32 v16, v15  }
0x56: {  	v34 =	vmin.f32 v33, $3.000000000e+00  }
0x57: {  	v15 =	vadd.f32 v34, v15  }
0x58: {  	s31 =	spop (v2sf)  }
0x59: {  	s30 =	sadd.s32 s30, s31;
	vm10 =	vlt.f32 v15, $9.000000350e-02  }
0x5a: {  	[tilespmem:s30+$0x3180] =	vst.msk vm10, v12;
	v35 =	vmpcnt.ones.xlane vm10  }
0x5b: {  	[tilespmem:s30+$0x3280] =	vst.msk vm10, v13  }
0x5c: {  	[tilespmem:s30+$0x3380] =	vst.msk vm10, v14;
	(v2sf) =	vpush v35, $0x0  }
0x5d: {  	v36 =	vld [tilespmem:s25+$0xFFFFFFF0]  }
0x5e: {  	v13 =	vld [tilespmem:s26+$0xFFFFFFF0];
	_ =	sdelay $0x1  }
0x5f: {  	v14 =	vld [tilespmem:s28+$0xFFFFFFF0];
	_ =	sdelay $0x2  }
0x60: {  	v12 =	vsub.f32 v36, v11;
	v13 =	vsub.f32 v13, v10;
	_ =	sdelay $0x1  }
0x61: {  	v14 =	vsub.f32 v14, v9;
	v37 =	vmul.f32 v12, v12;
	v38 =	vmul.f32 v13, v13;
	_ =	sdelay $0x1  }
0x62: {  	v39 =	vmul.f32 v14, v14;
	v15 =	vmin.f32 v37, $3.000000000e+00;
	v16 =	vmin.f32 v38, $3.000000000e+00  }
0x63: {  	v15 =	vadd.f32 v16, v15  }
0x64: {  	v40 =	vmin.f32 v39, $3.000000000e+00  }
0x65: {  	v15 =	vadd.f32 v40, v15  }
0x66: {  	s31 =	spop (v2sf)  }
0x67: {  	vm11 =	vlt.f32 v15, $9.000000350e-02;
	s30 =	sadd.s32 s30, s31  }
0x68: {  	v41 =	vmpcnt.ones.xlane vm11;
	[tilespmem:s30+$0x3180] =	vst.msk vm11, v12  }
0x69: {  	[tilespmem:s30+$0x3280] =	vst.msk vm11, v13  }
0x6a: {  	(v2sf) =	vpush v41, $0x0;
	[tilespmem:s30+$0x3380] =	vst.msk vm11, v14  }
0x6b: {  	v42 =	vld [tilespmem:s25+$0x0]  }
0x6c: {  	v13 =	vld [tilespmem:s26+$0x0];
	_ =	sdelay $0x1  }
0x6d: {  	v14 =	vld [tilespmem:s28+$0x0];
	_ =	sdelay $0x2  }
0x6e: {  	v12 =	vsub.f32 v42, v11;
	v13 =	vsub.f32 v13, v10;
	_ =	sdelay $0x1  }
0x6f: {  	v14 =	vsub.f32 v14, v9;
	v43 =	vmul.f32 v12, v12;
	v44 =	vmul.f32 v13, v13;
	_ =	sdelay $0x1  }
0x70: {  	v45 =	vmul.f32 v14, v14;
	v15 =	vmin.f32 v43, $3.000000000e+00;
	v16 =	vmin.f32 v44, $3.000000000e+00  }
0x71: {  	v15 =	vadd.f32 v16, v15  }
0x72: {  	v46 =	vmin.f32 v45, $3.000000000e+00  }
0x73: {  	v15 =	vadd.f32 v46, v15  }
0x74: {  	s31 =	spop (v2sf)  }
0x75: {  	s30 =	sadd.s32 s30, s31;
	vm12 =	vlt.f32 v15, $9.000000350e-02  }
0x76: {  	[tilespmem:s30+$0x3180] =	vst.msk vm12, v12;
	v47 =	vmpcnt.ones.xlane vm12  }
0x77: {  	[tilespmem:s30+$0x3280] =	vst.msk vm12, v13  }
0x78: {  	[tilespmem:s30+$0x3380] =	vst.msk vm12, v14;
	(v2sf) =	vpush v47, $0x0  }
0x79: {  	v48 =	vld [tilespmem:s25+$0x10]  }
0x7a: {  	v13 =	vld [tilespmem:s26+$0x10];
	_ =	sdelay $0x1  }
0x7b: {  	v14 =	vld [tilespmem:s28+$0x10];
	_ =	sdelay $0x2  }
0x7c: {  	v12 =	vsub.f32 v48, v11;
	v13 =	vsub.f32 v13, v10;
	_ =	sdelay $0x1  }
0x7d: {  	v14 =	vsub.f32 v14, v9;
	v49 =	vmul.f32 v12, v12;
	v50 =	vmul.f32 v13, v13;
	_ =	sdelay $0x1  }
0x7e: {  	v51 =	vmul.f32 v14, v14;
	v15 =	vmin.f32 v49, $3.000000000e+00;
	v16 =	vmin.f32 v50, $3.000000000e+00  }
0x7f: {  	v15 =	vadd.f32 v16, v15  }
0x80: {  	v52 =	vmin.f32 v51, $3.000000000e+00  }
0x81: {  	v15 =	vadd.f32 v52, v15  }
0x82: {  	s31 =	spop (v2sf)  }
0x83: {  	vm13 =	vlt.f32 v15, $9.000000350e-02;
	s30 =	sadd.s32 s30, s31  }
0x84: {  	v53 =	vmpcnt.ones.xlane vm13;
	[tilespmem:s30+$0x3180] =	vst.msk vm13, v12  }
0x85: {  	[tilespmem:s30+$0x3280] =	vst.msk vm13, v13  }
0x86: {  	(v2sf) =	vpush v53, $0x0;
	[tilespmem:s30+$0x3380] =	vst.msk vm13, v14  }
0x87: {  	v54 =	vld [tilespmem:s25+$0x20]  }
0x88: {  	v13 =	vld [tilespmem:s26+$0x20];
	_ =	sdelay $0x1  }
0x89: {  	v14 =	vld [tilespmem:s28+$0x20];
	_ =	sdelay $0x2  }
0x8a: {  	v12 =	vsub.f32 v54, v11;
	v13 =	vsub.f32 v13, v10;
	_ =	sdelay $0x1  }
0x8b: {  	v14 =	vsub.f32 v14, v9;
	v55 =	vmul.f32 v12, v12;
	v56 =	vmul.f32 v13, v13;
	_ =	sdelay $0x1  }
0x8c: {  	v57 =	vmul.f32 v14, v14;
	v15 =	vmin.f32 v55, $3.000000000e+00;
	v16 =	vmin.f32 v56, $3.000000000e+00  }
0x8d: {  	v15 =	vadd.f32 v16, v15  }
0x8e: {  	v58 =	vmin.f32 v57, $3.000000000e+00  }
0x8f: {  	v15 =	vadd.f32 v58, v15  }
0x90: {  	s31 =	spop (v2sf)  }
0x91: {  	s30 =	sadd.s32 s30, s31;
	vm14 =	vlt.f32 v15, $9.000000350e-02  }
0x92: {  	[tilespmem:s30+$0x3180] =	vst.msk vm14, v12  }
0x93: {  	[tilespmem:s30+$0x3280] =	vst.msk vm14, v13  }
0x94: {  	[tilespmem:s30+$0x3380] =	vst.msk vm14, v14  }
0x95: {  	v12 =	vld [tilespmem:s25+$0x30]  }
0x96: {  	v13 =	vld [tilespmem:s26+$0x30];
	_ =	sdelay $0x1  }
0x97: {  	v14 =	vld [tilespmem:s28+$0x30];
	_ =	sdelay $0x2  }
0x98: {  	v12 =	vsub.f32 v12, v11;
	v13 =	vsub.f32 v13, v10;
	_ =	sdelay $0x1  }
0x99: {  	v14 =	vsub.f32 v14, v9;
	v59 =	vmul.f32 v12, v12;
	v60 =	vmul.f32 v13, v13;
	_ =	sdelay $0x1  }
0x9a: {  	v61 =	vmul.f32 v14, v14;
	v15 =	vmin.f32 v59, $3.000000000e+00;
	v16 =	vmin.f32 v60, $3.000000000e+00  }
0x9b: {  	v15 =	vadd.f32 v16, v15  }
0x9c: {  	v62 =	vmin.f32 v61, $3.000000000e+00  }
0x9d: {  	v15 =	vadd.f32 v62, v15;
	_ =	sdelay $0x1  }
0x9e: {  	v63 =	vmpcnt.ones.xlane vm14;
	vm15 =	vlt.f32 v15, $9.000000350e-02  }
0x9f: {  	v15 =	vmpcnt.ones.xlane vm15  }
0xa0: {  	(v2sf) =	vpush v63, $0x0  }
0xa1: {  	(v2sf) =	vpush v15, $0x0;
	_ =	sdelay $0xd  }
0xa2: {  	s31 =	spop (v2sf)  }
0xa3: {  	s31 =	sadd.s32 s30, s31;
	s30 =	spop (v2sf)  }
0xa4: {  	s30 =	sadd.s32 s31, s30  }
0xa5: {  	p0 =	sgt.s32 s30, $0x1F  }
0xa6: {  	p1 =	slt.u32 @!p0 s29, $0xF8  }
0xa7: {  	p0 =	por p0, !p1  }
.Ltmp0:
0xa8: {  	_ = 	snop;
	(pc) =	sbr.rel @!p0 .LBB2_4-.Ltmp0, $4  }
0xa9: {  	_ = 	snop  }
0xaa: {  	[tilespmem:s31+$0x3180] =	vst.msk vm15, v12  }
0xab: {  	s25 =	sadd.s32 $0x80, s25;
	[tilespmem:s31+$0x3280] =	vst.msk vm15, v13  }
0xac: {  	s26 =	sadd.s32 $0x80, s26;
	s28 =	sadd.s32 $0x80, s28;
	[tilespmem:s31+$0x3380] =	vst.msk vm15, v14;
	s29 =	sadd.s32 $0x8, s29  }
0xad: {  	v12 =	vld.msk [tilespmem:s2+$0x0], $0xffff;
	_ =	sdelay $0x1  }
0xae: {  	v13 =	vld.msk [tilespmem:s16+$0x0], $0xffff  }
0xaf: {  	v14 =	vld [tilespmem:$0x3180]  }
0xb0: {  	v15 =	vor.u32 v0, v8  }
0xb1: {  	v11 =	vsub.f32 v12, v11  }
0xb2: {  	v58 =	vld.msk [tilespmem:s17+$0x0], $0xffff;
	p0 =	sgt.s32 s30, $0x0;
	v16 =	vmov s30  }
0xb3: {  	v17 =	vld.msk [tilespmem:s11+$0x0], $0xffff;
	vm0 =	vlt.s32 v16, v1;
	v11 =	vpsel p0, v13, v11  }
0xb4: {  	v59 =	vld.msk [tilespmem:s18+$0x0], $0xffff;
	v14 =	vsel vm0, v11, v14  }
0xb5: {  	v18 =	vld.msk [tilespmem:s12+$0x0], $0xffff;
	[tilespmem:v15+s19+$0x0] =	vst.idx.msk $0xffff, v14  }
0xb6: {  	v14 =	vld [tilespmem:$0x3280]  }
0xb7: {  	v60 =	vor.u32 v2, v8  }
0xb8: {  	v10 =	vsub.f32 v17, v10;
	_ =	sdelay $0x1  }
0xb9: {  	v10 =	vpsel p0, v58, v10  }
0xba: {  	v12 =	vsel vm0, v10, v14  }
0xbb: {  	[tilespmem:v60+s19+$0x0] =	vst.idx.msk $0xffff, v12  }
0xbc: {  	v12 =	vld [tilespmem:$0x3380]  }
0xbd: {  	v61 =	vor.u32 v3, v8  }
0xbe: {  	v9 =	vsub.f32 v18, v9;
	_ =	sdelay $0x1  }
0xbf: {  	v9 =	vpsel p0, v59, v9  }
0xc0: {  	v12 =	vsel vm0, v9, v12  }
0xc1: {  	[tilespmem:v61+s19+$0x0] =	vst.idx.msk $0xffff, v12  }
0xc2: {  	v12 =	vld [tilespmem:$0x3190]  }
0xc3: {  	v62 =	vor.u32 v5, v8;
	_ =	sdelay $0x2  }
0xc4: {  	vm15 =	vlt.s32 v16, v4  }
0xc5: {  	v11 =	vsel vm15, v11, v12  }
0xc6: {  	[tilespmem:v62+s19+$0x0] =	vst.idx.msk $0xffff, v11  }
0xc7: {  	v11 =	vld [tilespmem:$0x3290]  }
0xc8: {  	v63 =	vor.u32 v6, v8;
	_ =	sdelay $0x3  }
0xc9: {  	v10 =	vsel vm15, v10, v11  }
0xca: {  	[tilespmem:v63+s19+$0x0] =	vst.idx.msk $0xffff, v10  }
0xcb: {  	s23 =	sadd.s32 $0x1, s23;
	v10 =	vld [tilespmem:$0x3390]  }
0xcc: {  	v8 =	vor.u32 v7, v8;
	p0 =	sne.s32 s23, $0x80  }
.Ltmp1:
0xcd: {  	_ = 	snop;
	(pc) =	sbr.rel @p0 .LBB2_3-.Ltmp1, $3  }
0xce: {  	_ =	sdelay $0x1  }
0xcf: {  	v9 =	vsel vm15, v9, v10  }
0xd0: {  	[tilespmem:v8+s19+$0x0] =	vst.idx.msk $0xffff, v9  }
0xd1: {  	s23 =	smul.u32 $0x3000, s24;
	s22 =	sadd.s32 $0x1, s22  }
0xd2: {  	p0 =	sne.s32 s22, $0x5  }
.Ltmp2:
0xd3: {  	s23 =	sadd.s32 s23, s7;
	(pc) =	sbr.rel @p0 .LBB2_2-.Ltmp2, $4  }
0xd4: {  	[hbm4b:s23+s20] =	stream.strided.scatter [tilespmem:s19], [sflag:$0x1], $0x3000, s12, s20, $0x38;
	[tilespmem:$0x6480] =	vst v63  }
0xd5: {  	_ =	swait.ge [sflag:s10], $0x3000  }
0xd6: {  	[sflag:s10] =	ssyncset.done $0x0  }
0xd7: {  	[sflag:s10] =	ssyncadd.s32 $0xFFFFD000  }
0xd8: {  	s21 =	sadd.s32 $0x1, s21  }
0xd9: {  	p0 =	sne.s32 s21, s9  }
.Ltmp3:
0xda: {  	_ = 	snop;
	(pc) =	sbr.rel @p0 .LBB2_1-.Ltmp3, $1  }
0xdb: {  	_ =	sdelay $0x3  }
0xdc: {  	_ =	sfence.sel $0x180000  }
0xdd: {  	[bflag:$0x0] =	sbarrier.arrive $0xFFFF  }
0xde: {  	p0 =	sne.s32 s1, $0x0;
	_ =	strace $0x9000004A  }
0xdf: {  	s0 =	sadd.s32 @!p0 $0x100000, s0;
	[bflag:$0x2] =	sbarrier.arrive $0xFFFF  }
0xe0: {  	[sflag:s0] =	ssyncadd.tile.s32 @!p0 $0x1;
	_ =	shalt  }
.Lfunc_end2:
_tile_overlayer_lowered:
.L_overlay_start_2:
0xe1: {  	(tag) =	ssettag $0x2  }
0xe2: {  	s0 =	rddreg [dreg:$0x0];
	s2 =	stileid.u32  }
0xe3: {  	s1 =	rddreg [dreg:$0x1];
	p0 =	sne.s32 s2, $0x0  }
0xe4: {  	s3 =	rddreg [dreg:$0x2];
	[bflag:$0x3] =	sbarrier.arrive $0xFFFF;
	s2 =	simm.s32 @!p0 $0x1C01  }
0xe5: {  	[timem:s3], [sflag:s2] =	dma.local @!p0 [hbm:s0], s1  }
0xe6: {  	s0 =	simm.s32 @!p0 $0x1  }
0xe7: {  	_ =	swait.ge @!p0 [sflag:s0], s1  }
0xe8: {  	s1 =	ssub.s32 @!p0 $0x0, s1;
	[sflag:s0] =	ssyncset.done @!p0 $0x0  }
0xe9: {  	[sflag:s0] =	ssyncadd.s32 @!p0 s1  }
0xea: {  	[bflag:$0x3] =	sbarrier.arrive $0xFFFF  }
0xeb: {  	_ =	shalt  }

</sc_bundles>
